<compile_context>
chip_gen: v7x
topology: tpu7x:2x2x1
jax: 0.10.2.dev20260603
libtpu: 0.0.44.dev20260713+nightly
codegen_flags: <defaults>
</compile_context>

<pallas_src>
import jax
import jax.numpy as jnp
from jax import lax
from jax.experimental import pallas as pl
from jax.experimental.pallas import tpu as pltpu
from jax.experimental.pallas import tpu_sc as plsc

NUM_CLASSES = 100
N_ATOMS = 16384
N_PER_ATOM = 50
ROWS = N_ATOMS * N_PER_ATOM
NUM_CORES = 2
NUM_SUBCORES = 16
NW = NUM_CORES * NUM_SUBCORES
ATOMS_PER_W = N_ATOMS // NW
IDX_PER_W = ATOMS_PER_W * N_PER_ATOM
IDX_ALLOC = IDX_PER_W + 16
PR = 56
PC = 128
BR = 50
BC = 100
NBUF = 4
LANES = 16


def _onehot_body(idx_hbm, out_hbm, idx_v, buf0, buf1, buf2, buf3,
                 sem0, sem1, sem2, sem3):
    bufs = (buf0, buf1, buf2, buf3)
    sems = (sem0, sem1, sem2, sem3)
    wid = lax.axis_index("s") * NUM_CORES + lax.axis_index("c")
    atom0 = wid * ATOMS_PER_W

    pltpu.sync_copy(idx_hbm.at[pl.ds(atom0, ATOMS_PER_W)], idx_v)

    lane = lax.iota(jnp.int32, LANES)
    ones16 = jnp.full((LANES,), 1, jnp.int32)
    zeros16 = jnp.zeros((LANES,), jnp.int32)

    def _zero(r, carry):
        rv = jnp.full((LANES,), r, jnp.int32)
        for buf in bufs:
            for o in (0, 16, 32, 48, 64, 80, 84):
                plsc.store_scatter(buf, [rv, lane + o], zeros16)
        return carry
    lax.fori_loop(0, BR, _zero, 0)

    tail_mask = lane < N_PER_ATOM - 3 * LANES

    def _scatter(buf, la, vals):
        lav = jnp.full((LANES,), la, jnp.int32)
        for i in range(4):
            row = lane + i * LANES
            if i == 3:
                row = jnp.minimum(row, BR - 1)
                idxv = plsc.load_gather(idx_v, [lav, row])
                idxv = jnp.minimum(lax.bitwise_and(idxv, PC - 1), BC - 1)
                plsc.store_scatter(buf, [row, idxv], vals, mask=tail_mask)
            else:
                idxv = plsc.load_gather(idx_v, [lav, row])
                plsc.store_scatter(buf, [row, idxv], vals)

    for b in range(NBUF):
        _scatter(bufs[b], b, ones16)
        pltpu.async_copy(bufs[b], out_hbm.at[atom0 + b], sems[b])

    def _step(k, carry):
        aa = NBUF * k
        for b in range(NBUF):
            a = aa + b
            pltpu.make_async_copy(bufs[b], out_hbm.at[atom0 + a],
                                  sems[b]).wait()
            _scatter(bufs[b], a - NBUF, zeros16)
            _scatter(bufs[b], a, ones16)
            pltpu.async_copy(bufs[b], out_hbm.at[atom0 + a], sems[b])
        return carry
    lax.fori_loop(1, ATOMS_PER_W // NBUF, _step, 0)

    for b in range(NBUF):
        pltpu.make_async_copy(
            bufs[b], out_hbm.at[atom0 + ATOMS_PER_W - NBUF + b],
            sems[b]).wait()


@jax.jit
def kernel(atom_type):
    mesh = plsc.VectorSubcoreMesh(core_axis_name="c", subcore_axis_name="s")
    out = pl.kernel(
        _onehot_body,
        out_type=jax.ShapeDtypeStruct((N_ATOMS, N_PER_ATOM, NUM_CLASSES),
                                      jnp.int32),
        mesh=mesh,
        compiler_params=pltpu.CompilerParams(needs_layout_passes=False),
        scratch_types=[
            pltpu.VMEM((ATOMS_PER_W, N_PER_ATOM), jnp.int32),
            pltpu.VMEM((BR, BC), jnp.int32),
            pltpu.VMEM((BR, BC), jnp.int32),
            pltpu.VMEM((BR, BC), jnp.int32),
            pltpu.VMEM((BR, BC), jnp.int32),
            pltpu.SemaphoreType.DMA,
            pltpu.SemaphoreType.DMA,
            pltpu.SemaphoreType.DMA,
            pltpu.SemaphoreType.DMA,
        ],
    )(atom_type)
    return out

# --- scband reference (transcript-rebuilt; emitter-appended) ---
"""Pipeline reference for scband-one-hot-61383672594923 (READ-ONLY COPY).

The authoritative reference and input builder live on the scoring server;
editing this copy changes nothing except your own understanding.
"""

import jax, jax.numpy as jnp
import numpy as np

NUM_TYPES = 100

def setup_inputs(seed: int = 0) -> dict:
    key = jax.random.key(seed)
    atom_type = jax.random.randint(key, (16384, 50), 0, NUM_TYPES, dtype=jnp.int32)
    return {"atom_type": atom_type}

def reference(atom_type):
    # torch.nn.functional.one_hot(type_numbers, num_types) -> int tensor [.., num_types]
    one_hot = jax.nn.one_hot(atom_type, NUM_TYPES, dtype=jnp.int32)
    return one_hot

if __name__ == "__main__":
    import jax
    _d = setup_inputs()
    print(jax.jit(kernel)(*tuple(_d.values())))

</pallas_src>

<mosaic_0001>
#map = affine_map<(d0, d1) -> (0, 0)>
#map1 = affine_map<(d0, d1) -> (0, 0, 0)>
module attributes {stable_mosaic.version = 14 : i64} {
  func.func @_onehot_body(%arg0: i32, %arg1: i32, %arg2: memref<16384x50xi32, #tpu.memory_space<hbm>>, %arg3: memref<16384x50x100xi32, #tpu.memory_space<hbm>>, %arg4: memref<512x50xi32, #tpu.memory_space<vmem>>, %arg5: memref<50x100xi32, #tpu.memory_space<vmem>>, %arg6: memref<50x100xi32, #tpu.memory_space<vmem>>, %arg7: memref<50x100xi32, #tpu.memory_space<vmem>>, %arg8: memref<50x100xi32, #tpu.memory_space<vmem>>, %arg9: memref<!tpu.dma_semaphore, #tpu.memory_space<semaphore_mem>>, %arg10: memref<!tpu.dma_semaphore, #tpu.memory_space<semaphore_mem>>, %arg11: memref<!tpu.dma_semaphore, #tpu.memory_space<semaphore_mem>>, %arg12: memref<!tpu.dma_semaphore, #tpu.memory_space<semaphore_mem>>) attributes {dimension_semantics = [#tpu.dimension_semantics<core_parallel>, #tpu.dimension_semantics<subcore_parallel>], iteration_bounds = array<i64: 2, 16>, scalar_prefetch = 0 : i64, scratch_operands = 9 : i64, tpu.core_type = #tpu.core_type<sc_vector_subcore>, window_params = [{transform_indices = #map}, {transform_indices = #map1}]} {
    %mul3A = arith.constant 2 : i32
    %mul3A_0 = arith.muli %arg1, %mul3A : i32
    %add3A = arith.addi %mul3A_0, %arg0 : i32
    %mul3A_1 = arith.constant 512 : i32
    %mul3A_2 = arith.muli %add3A, %mul3A_1 : i32
    "tpu.region"() ({
      %run_scoped3A = tpu.sem_alloc : memref<!tpu.dma_semaphore, #tpu.memory_space<semaphore_mem>>
      %dma_start3A_217 = arith.constant 0 : i32
      %dma_start3A_218 = tpu.memref_slice %arg2[%mul3A_2, %dma_start3A_217] : memref<16384x50xi32, #tpu.memory_space<hbm>> -> memref<512x50xi32, #tpu.memory_space<hbm>>
      %dma_start3A_219 = arith.constant 0 : i32
      %dma_start3A_220 = tpu.memref_slice %arg2[%mul3A_2, %dma_start3A_219] : memref<16384x50xi32, #tpu.memory_space<hbm>> -> memref<512x50xi32, #tpu.memory_space<hbm>>
      tpu.enqueue_dma source(%dma_start3A_220 : memref<512x50xi32, #tpu.memory_space<hbm>>) target(%arg4 : memref<512x50xi32, #tpu.memory_space<vmem>>) target_semaphore(%run_scoped3A : memref<!tpu.dma_semaphore, #tpu.memory_space<semaphore_mem>>)
      %dma_wait3A_221 = arith.constant 0 : i32
      %dma_wait3A_222 = tpu.memref_slice %arg2[%mul3A_2, %dma_wait3A_221] : memref<16384x50xi32, #tpu.memory_space<hbm>> -> memref<512x50xi32, #tpu.memory_space<hbm>>
      %dma_wait3A_223 = arith.constant 0 : i32
      %dma_wait3A_224 = tpu.memref_slice %arg2[%mul3A_2, %dma_wait3A_223] : memref<16384x50xi32, #tpu.memory_space<hbm>> -> memref<512x50xi32, #tpu.memory_space<hbm>>
      tpu.wait_dma2 semaphore(%run_scoped3A : memref<!tpu.dma_semaphore, #tpu.memory_space<semaphore_mem>>) src(%dma_wait3A_224 : memref<512x50xi32, #tpu.memory_space<hbm>>) dst(%arg4 : memref<512x50xi32, #tpu.memory_space<vmem>>)
      tpu.yield
    }) : () -> ()
    %iota3A = tpu.iota {dimensions = array<i32: 0>} : vector<16xi32>
    %broadcast_in_dim3A = arith.constant 1 : i32
    %broadcast_in_dim3A_3 = vector.broadcast %broadcast_in_dim3A : i32 to vector<16xi32>
    %broadcast_in_dim3A_4 = arith.constant 0 : i32
    %broadcast_in_dim3A_5 = vector.broadcast %broadcast_in_dim3A_4 : i32 to vector<16xi32>
    %scan3A = arith.constant 0 : i32
    %scan3A_6 = arith.constant 0 : i32
    %scan3A_7 = arith.constant 50 : i32
    %scan3A_8 = arith.addi %scan3A_6, %scan3A_7 : i32
    %scan3A_9 = arith.constant 1 : i32
    scf.for %scan3A_217 = %scan3A_6 to %scan3A_8 step %scan3A_9  : i32 {
      %broadcast_in_dim3A_218 = vector.broadcast %scan3A_217 : i32 to vector<16xi32>
      %add3A_219 = arith.constant 0 : i32
      %add3A_220 = vector.broadcast %add3A_219 : i32 to vector<16xi32>
      %add3A_221 = arith.addi %iota3A, %add3A_220 : vector<16xi32>
      tpu.vector_store_idx %arg5[%broadcast_in_dim3A_218, %add3A_221], %broadcast_in_dim3A_5 : memref<50x100xi32, #tpu.memory_space<vmem>>[vector<16xi32>, vector<16xi32>], vector<16xi32>,
      %add3A_222 = arith.constant 16 : i32
      %add3A_223 = vector.broadcast %add3A_222 : i32 to vector<16xi32>
      %add3A_224 = arith.addi %iota3A, %add3A_223 : vector<16xi32>
      tpu.vector_store_idx %arg5[%broadcast_in_dim3A_218, %add3A_224], %broadcast_in_dim3A_5 : memref<50x100xi32, #tpu.memory_space<vmem>>[vector<16xi32>, vector<16xi32>], vector<16xi32>,
      %add3A_225 = arith.constant 32 : i32
      %add3A_226 = vector.broadcast %add3A_225 : i32 to vector<16xi32>
      %add3A_227 = arith.addi %iota3A, %add3A_226 : vector<16xi32>
      tpu.vector_store_idx %arg5[%broadcast_in_dim3A_218, %add3A_227], %broadcast_in_dim3A_5 : memref<50x100xi32, #tpu.memory_space<vmem>>[vector<16xi32>, vector<16xi32>], vector<16xi32>,
      %add3A_228 = arith.constant 48 : i32
      %add3A_229 = vector.broadcast %add3A_228 : i32 to vector<16xi32>
      %add3A_230 = arith.addi %iota3A, %add3A_229 : vector<16xi32>
      tpu.vector_store_idx %arg5[%broadcast_in_dim3A_218, %add3A_230], %broadcast_in_dim3A_5 : memref<50x100xi32, #tpu.memory_space<vmem>>[vector<16xi32>, vector<16xi32>], vector<16xi32>,
      %add3A_231 = arith.constant 64 : i32
      %add3A_232 = vector.broadcast %add3A_231 : i32 to vector<16xi32>
      %add3A_233 = arith.addi %iota3A, %add3A_232 : vector<16xi32>
      tpu.vector_store_idx %arg5[%broadcast_in_dim3A_218, %add3A_233], %broadcast_in_dim3A_5 : memref<50x100xi32, #tpu.memory_space<vmem>>[vector<16xi32>, vector<16xi32>], vector<16xi32>,
      %add3A_234 = arith.constant 80 : i32
      %add3A_235 = vector.broadcast %add3A_234 : i32 to vector<16xi32>
      %add3A_236 = arith.addi %iota3A, %add3A_235 : vector<16xi32>
      tpu.vector_store_idx %arg5[%broadcast_in_dim3A_218, %add3A_236], %broadcast_in_dim3A_5 : memref<50x100xi32, #tpu.memory_space<vmem>>[vector<16xi32>, vector<16xi32>], vector<16xi32>,
      %add3A_237 = arith.constant 84 : i32
      %add3A_238 = vector.broadcast %add3A_237 : i32 to vector<16xi32>
      %add3A_239 = arith.addi %iota3A, %add3A_238 : vector<16xi32>
      tpu.vector_store_idx %arg5[%broadcast_in_dim3A_218, %add3A_239], %broadcast_in_dim3A_5 : memref<50x100xi32, #tpu.memory_space<vmem>>[vector<16xi32>, vector<16xi32>], vector<16xi32>,
      %add3A_240 = arith.constant 0 : i32
      %add3A_241 = vector.broadcast %add3A_240 : i32 to vector<16xi32>
      %add3A_242 = arith.addi %iota3A, %add3A_241 : vector<16xi32>
      tpu.vector_store_idx %arg6[%broadcast_in_dim3A_218, %add3A_242], %broadcast_in_dim3A_5 : memref<50x100xi32, #tpu.memory_space<vmem>>[vector<16xi32>, vector<16xi32>], vector<16xi32>,
      %add3A_243 = arith.constant 16 : i32
      %add3A_244 = vector.broadcast %add3A_243 : i32 to vector<16xi32>
      %add3A_245 = arith.addi %iota3A, %add3A_244 : vector<16xi32>
      tpu.vector_store_idx %arg6[%broadcast_in_dim3A_218, %add3A_245], %broadcast_in_dim3A_5 : memref<50x100xi32, #tpu.memory_space<vmem>>[vector<16xi32>, vector<16xi32>], vector<16xi32>,
      %add3A_246 = arith.constant 32 : i32
      %add3A_247 = vector.broadcast %add3A_246 : i32 to vector<16xi32>
      %add3A_248 = arith.addi %iota3A, %add3A_247 : vector<16xi32>
      tpu.vector_store_idx %arg6[%broadcast_in_dim3A_218, %add3A_248], %broadcast_in_dim3A_5 : memref<50x100xi32, #tpu.memory_space<vmem>>[vector<16xi32>, vector<16xi32>], vector<16xi32>,
      %add3A_249 = arith.constant 48 : i32
      %add3A_250 = vector.broadcast %add3A_249 : i32 to vector<16xi32>
      %add3A_251 = arith.addi %iota3A, %add3A_250 : vector<16xi32>
      tpu.vector_store_idx %arg6[%broadcast_in_dim3A_218, %add3A_251], %broadcast_in_dim3A_5 : memref<50x100xi32, #tpu.memory_space<vmem>>[vector<16xi32>, vector<16xi32>], vector<16xi32>,
      %add3A_252 = arith.constant 64 : i32
      %add3A_253 = vector.broadcast %add3A_252 : i32 to vector<16xi32>
      %add3A_254 = arith.addi %iota3A, %add3A_253 : vector<16xi32>
      tpu.vector_store_idx %arg6[%broadcast_in_dim3A_218, %add3A_254], %broadcast_in_dim3A_5 : memref<50x100xi32, #tpu.memory_space<vmem>>[vector<16xi32>, vector<16xi32>], vector<16xi32>,
      %add3A_255 = arith.constant 80 : i32
      %add3A_256 = vector.broadcast %add3A_255 : i32 to vector<16xi32>
      %add3A_257 = arith.addi %iota3A, %add3A_256 : vector<16xi32>
      tpu.vector_store_idx %arg6[%broadcast_in_dim3A_218, %add3A_257], %broadcast_in_dim3A_5 : memref<50x100xi32, #tpu.memory_space<vmem>>[vector<16xi32>, vector<16xi32>], vector<16xi32>,
      %add3A_258 = arith.constant 84 : i32
      %add3A_259 = vector.broadcast %add3A_258 : i32 to vector<16xi32>
      %add3A_260 = arith.addi %iota3A, %add3A_259 : vector<16xi32>
      tpu.vector_store_idx %arg6[%broadcast_in_dim3A_218, %add3A_260], %broadcast_in_dim3A_5 : memref<50x100xi32, #tpu.memory_space<vmem>>[vector<16xi32>, vector<16xi32>], vector<16xi32>,
      %add3A_261 = arith.constant 0 : i32
      %add3A_262 = vector.broadcast %add3A_261 : i32 to vector<16xi32>
      %add3A_263 = arith.addi %iota3A, %add3A_262 : vector<16xi32>
      tpu.vector_store_idx %arg7[%broadcast_in_dim3A_218, %add3A_263], %broadcast_in_dim3A_5 : memref<50x100xi32, #tpu.memory_space<vmem>>[vector<16xi32>, vector<16xi32>], vector<16xi32>,
      %add3A_264 = arith.constant 16 : i32
      %add3A_265 = vector.broadcast %add3A_264 : i32 to vector<16xi32>
      %add3A_266 = arith.addi %iota3A, %add3A_265 : vector<16xi32>
      tpu.vector_store_idx %arg7[%broadcast_in_dim3A_218, %add3A_266], %broadcast_in_dim3A_5 : memref<50x100xi32, #tpu.memory_space<vmem>>[vector<16xi32>, vector<16xi32>], vector<16xi32>,
      %add3A_267 = arith.constant 32 : i32
      %add3A_268 = vector.broadcast %add3A_267 : i32 to vector<16xi32>
      %add3A_269 = arith.addi %iota3A, %add3A_268 : vector<16xi32>
      tpu.vector_store_idx %arg7[%broadcast_in_dim3A_218, %add3A_269], %broadcast_in_dim3A_5 : memref<50x100xi32, #tpu.memory_space<vmem>>[vector<16xi32>, vector<16xi32>], vector<16xi32>,
      %add3A_270 = arith.constant 48 : i32
      %add3A_271 = vector.broadcast %add3A_270 : i32 to vector<16xi32>
      %add3A_272 = arith.addi %iota3A, %add3A_271 : vector<16xi32>
      tpu.vector_store_idx %arg7[%broadcast_in_dim3A_218, %add3A_272], %broadcast_in_dim3A_5 : memref<50x100xi32, #tpu.memory_space<vmem>>[vector<16xi32>, vector<16xi32>], vector<16xi32>,
      %add3A_273 = arith.constant 64 : i32
      %add3A_274 = vector.broadcast %add3A_273 : i32 to vector<16xi32>
      %add3A_275 = arith.addi %iota3A, %add3A_274 : vector<16xi32>
      tpu.vector_store_idx %arg7[%broadcast_in_dim3A_218, %add3A_275], %broadcast_in_dim3A_5 : memref<50x100xi32, #tpu.memory_space<vmem>>[vector<16xi32>, vector<16xi32>], vector<16xi32>,
      %add3A_276 = arith.constant 80 : i32
      %add3A_277 = vector.broadcast %add3A_276 : i32 to vector<16xi32>
      %add3A_278 = arith.addi %iota3A, %add3A_277 : vector<16xi32>
      tpu.vector_store_idx %arg7[%broadcast_in_dim3A_218, %add3A_278], %broadcast_in_dim3A_5 : memref<50x100xi32, #tpu.memory_space<vmem>>[vector<16xi32>, vector<16xi32>], vector<16xi32>,
      %add3A_279 = arith.constant 84 : i32
      %add3A_280 = vector.broadcast %add3A_279 : i32 to vector<16xi32>
      %add3A_281 = arith.addi %iota3A, %add3A_280 : vector<16xi32>
      tpu.vector_store_idx %arg7[%broadcast_in_dim3A_218, %add3A_281], %broadcast_in_dim3A_5 : memref<50x100xi32, #tpu.memory_space<vmem>>[vector<16xi32>, vector<16xi32>], vector<16xi32>,
      %add3A_282 = arith.constant 0 : i32
      %add3A_283 = vector.broadcast %add3A_282 : i32 to vector<16xi32>
      %add3A_284 = arith.addi %iota3A, %add3A_283 : vector<16xi32>
      tpu.vector_store_idx %arg8[%broadcast_in_dim3A_218, %add3A_284], %broadcast_in_dim3A_5 : memref<50x100xi32, #tpu.memory_space<vmem>>[vector<16xi32>, vector<16xi32>], vector<16xi32>,
      %add3A_285 = arith.constant 16 : i32
      %add3A_286 = vector.broadcast %add3A_285 : i32 to vector<16xi32>
      %add3A_287 = arith.addi %iota3A, %add3A_286 : vector<16xi32>
      tpu.vector_store_idx %arg8[%broadcast_in_dim3A_218, %add3A_287], %broadcast_in_dim3A_5 : memref<50x100xi32, #tpu.memory_space<vmem>>[vector<16xi32>, vector<16xi32>], vector<16xi32>,
      %add3A_288 = arith.constant 32 : i32
      %add3A_289 = vector.broadcast %add3A_288 : i32 to vector<16xi32>
      %add3A_290 = arith.addi %iota3A, %add3A_289 : vector<16xi32>
      tpu.vector_store_idx %arg8[%broadcast_in_dim3A_218, %add3A_290], %broadcast_in_dim3A_5 : memref<50x100xi32, #tpu.memory_space<vmem>>[vector<16xi32>, vector<16xi32>], vector<16xi32>,
      %add3A_291 = arith.constant 48 : i32
      %add3A_292 = vector.broadcast %add3A_291 : i32 to vector<16xi32>
      %add3A_293 = arith.addi %iota3A, %add3A_292 : vector<16xi32>
      tpu.vector_store_idx %arg8[%broadcast_in_dim3A_218, %add3A_293], %broadcast_in_dim3A_5 : memref<50x100xi32, #tpu.memory_space<vmem>>[vector<16xi32>, vector<16xi32>], vector<16xi32>,
      %add3A_294 = arith.constant 64 : i32
      %add3A_295 = vector.broadcast %add3A_294 : i32 to vector<16xi32>
      %add3A_296 = arith.addi %iota3A, %add3A_295 : vector<16xi32>
      tpu.vector_store_idx %arg8[%broadcast_in_dim3A_218, %add3A_296], %broadcast_in_dim3A_5 : memref<50x100xi32, #tpu.memory_space<vmem>>[vector<16xi32>, vector<16xi32>], vector<16xi32>,
      %add3A_297 = arith.constant 80 : i32
      %add3A_298 = vector.broadcast %add3A_297 : i32 to vector<16xi32>
      %add3A_299 = arith.addi %iota3A, %add3A_298 : vector<16xi32>
      tpu.vector_store_idx %arg8[%broadcast_in_dim3A_218, %add3A_299], %broadcast_in_dim3A_5 : memref<50x100xi32, #tpu.memory_space<vmem>>[vector<16xi32>, vector<16xi32>], vector<16xi32>,
      %add3A_300 = arith.constant 84 : i32
      %add3A_301 = vector.broadcast %add3A_300 : i32 to vector<16xi32>
      %add3A_302 = arith.addi %iota3A, %add3A_301 : vector<16xi32>
      tpu.vector_store_idx %arg8[%broadcast_in_dim3A_218, %add3A_302], %broadcast_in_dim3A_5 : memref<50x100xi32, #tpu.memory_space<vmem>>[vector<16xi32>, vector<16xi32>], vector<16xi32>,
    }
    %scan3A_10 = arith.constant 50 : i32
    %lt3A = arith.constant 2 : i32
    %lt3A_11 = vector.broadcast %lt3A : i32 to vector<16xi32>
    %lt3A_12 = arith.cmpi slt, %iota3A, %lt3A_11 : vector<16xi32>
    %broadcast_in_dim3A_13 = arith.constant 0 : i32
    %broadcast_in_dim3A_14 = vector.broadcast %broadcast_in_dim3A_13 : i32 to vector<16xi32>
    %add3A_15 = arith.constant 0 : i32
    %add3A_16 = vector.broadcast %add3A_15 : i32 to vector<16xi32>
    %add3A_17 = arith.addi %iota3A, %add3A_16 : vector<16xi32>
    %gather3A = tpu.vector_load_idx %arg4[%broadcast_in_dim3A_14, %add3A_17] : memref<512x50xi32, #tpu.memory_space<vmem>>[vector<16xi32>, vector<16xi32>], vector<16xi32>,
    tpu.vector_store_idx %arg5[%add3A_17, %gather3A], %broadcast_in_dim3A_3 : memref<50x100xi32, #tpu.memory_space<vmem>>[vector<16xi32>, vector<16xi32>], vector<16xi32>,
    %add3A_18 = arith.constant 16 : i32
    %add3A_19 = vector.broadcast %add3A_18 : i32 to vector<16xi32>
    %add3A_20 = arith.addi %iota3A, %add3A_19 : vector<16xi32>
    %gather3A_21 = tpu.vector_load_idx %arg4[%broadcast_in_dim3A_14, %add3A_20] : memref<512x50xi32, #tpu.memory_space<vmem>>[vector<16xi32>, vector<16xi32>], vector<16xi32>,
    tpu.vector_store_idx %arg5[%add3A_20, %gather3A_21], %broadcast_in_dim3A_3 : memref<50x100xi32, #tpu.memory_space<vmem>>[vector<16xi32>, vector<16xi32>], vector<16xi32>,
    %add3A_22 = arith.constant 32 : i32
    %add3A_23 = vector.broadcast %add3A_22 : i32 to vector<16xi32>
    %add3A_24 = arith.addi %iota3A, %add3A_23 : vector<16xi32>
    %gather3A_25 = tpu.vector_load_idx %arg4[%broadcast_in_dim3A_14, %add3A_24] : memref<512x50xi32, #tpu.memory_space<vmem>>[vector<16xi32>, vector<16xi32>], vector<16xi32>,
    tpu.vector_store_idx %arg5[%add3A_24, %gather3A_25], %broadcast_in_dim3A_3 : memref<50x100xi32, #tpu.memory_space<vmem>>[vector<16xi32>, vector<16xi32>], vector<16xi32>,
    %add3A_26 = arith.constant 48 : i32
    %add3A_27 = vector.broadcast %add3A_26 : i32 to vector<16xi32>
    %add3A_28 = arith.addi %iota3A, %add3A_27 : vector<16xi32>
    %min3A = arith.constant 49 : i32
    %min3A_29 = vector.broadcast %min3A : i32 to vector<16xi32>
    %min3A_30 = arith.minsi %add3A_28, %min3A_29 : vector<16xi32>
    %gather3A_31 = tpu.vector_load_idx %arg4[%broadcast_in_dim3A_14, %min3A_30] : memref<512x50xi32, #tpu.memory_space<vmem>>[vector<16xi32>, vector<16xi32>], vector<16xi32>,
    %and3A = arith.constant 127 : i32
    %and3A_32 = vector.broadcast %and3A : i32 to vector<16xi32>
    %and3A_33 = arith.andi %gather3A_31, %and3A_32 : vector<16xi32>
    %min3A_34 = arith.constant 99 : i32
    %min3A_35 = vector.broadcast %min3A_34 : i32 to vector<16xi32>
    %min3A_36 = arith.minsi %and3A_33, %min3A_35 : vector<16xi32>
    tpu.vector_store_idx %arg5[%min3A_30, %min3A_36], %broadcast_in_dim3A_3 masked %lt3A_12 : memref<50x100xi32, #tpu.memory_space<vmem>>[vector<16xi32>, vector<16xi32>], vector<16xi32>, vector<16xi1>
    %add3A_37 = arith.constant 0 : i32
    %add3A_38 = arith.addi %mul3A_2, %add3A_37 : i32
    %dma_start3A = arith.constant 0 : i32
    %dma_start3A_39 = arith.constant 0 : i32
    %dma_start3A_40 = tpu.memref_slice %arg3[%add3A_38, %dma_start3A, %dma_start3A_39] : memref<16384x50x100xi32, #tpu.memory_space<hbm>> -> memref<1x50x100xi32, #tpu.memory_space<hbm>>
    %dma_start3A_41 = tpu.memref_squeeze %dma_start3A_40 : memref<1x50x100xi32, #tpu.memory_space<hbm>> -> memref<50x100xi32, #tpu.memory_space<hbm>>
    %dma_start3A_42 = arith.constant 0 : i32
    %dma_start3A_43 = arith.constant 0 : i32
    %dma_start3A_44 = tpu.memref_slice %arg3[%add3A_38, %dma_start3A_42, %dma_start3A_43] : memref<16384x50x100xi32, #tpu.memory_space<hbm>> -> memref<1x50x100xi32, #tpu.memory_space<hbm>>
    %dma_start3A_45 = tpu.memref_squeeze %dma_start3A_44 : memref<1x50x100xi32, #tpu.memory_space<hbm>> -> memref<50x100xi32, #tpu.memory_space<hbm>>
    tpu.enqueue_dma source(%arg5 : memref<50x100xi32, #tpu.memory_space<vmem>>) target(%dma_start3A_45 : memref<50x100xi32, #tpu.memory_space<hbm>>) target_semaphore(%arg9 : memref<!tpu.dma_semaphore, #tpu.memory_space<semaphore_mem>>)
    %broadcast_in_dim3A_46 = arith.constant 1 : i32
    %broadcast_in_dim3A_47 = vector.broadcast %broadcast_in_dim3A_46 : i32 to vector<16xi32>
    %add3A_48 = arith.constant 0 : i32
    %add3A_49 = vector.broadcast %add3A_48 : i32 to vector<16xi32>
    %add3A_50 = arith.addi %iota3A, %add3A_49 : vector<16xi32>
    %gather3A_51 = tpu.vector_load_idx %arg4[%broadcast_in_dim3A_47, %add3A_50] : memref<512x50xi32, #tpu.memory_space<vmem>>[vector<16xi32>, vector<16xi32>], vector<16xi32>,
    tpu.vector_store_idx %arg6[%add3A_50, %gather3A_51], %broadcast_in_dim3A_3 : memref<50x100xi32, #tpu.memory_space<vmem>>[vector<16xi32>, vector<16xi32>], vector<16xi32>,
    %add3A_52 = arith.constant 16 : i32
    %add3A_53 = vector.broadcast %add3A_52 : i32 to vector<16xi32>
    %add3A_54 = arith.addi %iota3A, %add3A_53 : vector<16xi32>
    %gather3A_55 = tpu.vector_load_idx %arg4[%broadcast_in_dim3A_47, %add3A_54] : memref<512x50xi32, #tpu.memory_space<vmem>>[vector<16xi32>, vector<16xi32>], vector<16xi32>,
    tpu.vector_store_idx %arg6[%add3A_54, %gather3A_55], %broadcast_in_dim3A_3 : memref<50x100xi32, #tpu.memory_space<vmem>>[vector<16xi32>, vector<16xi32>], vector<16xi32>,
    %add3A_56 = arith.constant 32 : i32
    %add3A_57 = vector.broadcast %add3A_56 : i32 to vector<16xi32>
    %add3A_58 = arith.addi %iota3A, %add3A_57 : vector<16xi32>
    %gather3A_59 = tpu.vector_load_idx %arg4[%broadcast_in_dim3A_47, %add3A_58] : memref<512x50xi32, #tpu.memory_space<vmem>>[vector<16xi32>, vector<16xi32>], vector<16xi32>,
    tpu.vector_store_idx %arg6[%add3A_58, %gather3A_59], %broadcast_in_dim3A_3 : memref<50x100xi32, #tpu.memory_space<vmem>>[vector<16xi32>, vector<16xi32>], vector<16xi32>,
    %add3A_60 = arith.constant 48 : i32
    %add3A_61 = vector.broadcast %add3A_60 : i32 to vector<16xi32>
    %add3A_62 = arith.addi %iota3A, %add3A_61 : vector<16xi32>
    %min3A_63 = arith.constant 49 : i32
    %min3A_64 = vector.broadcast %min3A_63 : i32 to vector<16xi32>
    %min3A_65 = arith.minsi %add3A_62, %min3A_64 : vector<16xi32>
    %gather3A_66 = tpu.vector_load_idx %arg4[%broadcast_in_dim3A_47, %min3A_65] : memref<512x50xi32, #tpu.memory_space<vmem>>[vector<16xi32>, vector<16xi32>], vector<16xi32>,
    %and3A_67 = arith.constant 127 : i32
    %and3A_68 = vector.broadcast %and3A_67 : i32 to vector<16xi32>
    %and3A_69 = arith.andi %gather3A_66, %and3A_68 : vector<16xi32>
    %min3A_70 = arith.constant 99 : i32
    %min3A_71 = vector.broadcast %min3A_70 : i32 to vector<16xi32>
    %min3A_72 = arith.minsi %and3A_69, %min3A_71 : vector<16xi32>
    tpu.vector_store_idx %arg6[%min3A_65, %min3A_72], %broadcast_in_dim3A_3 masked %lt3A_12 : memref<50x100xi32, #tpu.memory_space<vmem>>[vector<16xi32>, vector<16xi32>], vector<16xi32>, vector<16xi1>
    %add3A_73 = arith.constant 1 : i32
    %add3A_74 = arith.addi %mul3A_2, %add3A_73 : i32
    %dma_start3A_75 = arith.constant 0 : i32
    %dma_start3A_76 = arith.constant 0 : i32
    %dma_start3A_77 = tpu.memref_slice %arg3[%add3A_74, %dma_start3A_75, %dma_start3A_76] : memref<16384x50x100xi32, #tpu.memory_space<hbm>> -> memref<1x50x100xi32, #tpu.memory_space<hbm>>
    %dma_start3A_78 = tpu.memref_squeeze %dma_start3A_77 : memref<1x50x100xi32, #tpu.memory_space<hbm>> -> memref<50x100xi32, #tpu.memory_space<hbm>>
    %dma_start3A_79 = arith.constant 0 : i32
    %dma_start3A_80 = arith.constant 0 : i32
    %dma_start3A_81 = tpu.memref_slice %arg3[%add3A_74, %dma_start3A_79, %dma_start3A_80] : memref<16384x50x100xi32, #tpu.memory_space<hbm>> -> memref<1x50x100xi32, #tpu.memory_space<hbm>>
    %dma_start3A_82 = tpu.memref_squeeze %dma_start3A_81 : memref<1x50x100xi32, #tpu.memory_space<hbm>> -> memref<50x100xi32, #tpu.memory_space<hbm>>
    tpu.enqueue_dma source(%arg6 : memref<50x100xi32, #tpu.memory_space<vmem>>) target(%dma_start3A_82 : memref<50x100xi32, #tpu.memory_space<hbm>>) target_semaphore(%arg10 : memref<!tpu.dma_semaphore, #tpu.memory_space<semaphore_mem>>)
    %broadcast_in_dim3A_83 = arith.constant 2 : i32
    %broadcast_in_dim3A_84 = vector.broadcast %broadcast_in_dim3A_83 : i32 to vector<16xi32>
    %add3A_85 = arith.constant 0 : i32
    %add3A_86 = vector.broadcast %add3A_85 : i32 to vector<16xi32>
    %add3A_87 = arith.addi %iota3A, %add3A_86 : vector<16xi32>
    %gather3A_88 = tpu.vector_load_idx %arg4[%broadcast_in_dim3A_84, %add3A_87] : memref<512x50xi32, #tpu.memory_space<vmem>>[vector<16xi32>, vector<16xi32>], vector<16xi32>,
    tpu.vector_store_idx %arg7[%add3A_87, %gather3A_88], %broadcast_in_dim3A_3 : memref<50x100xi32, #tpu.memory_space<vmem>>[vector<16xi32>, vector<16xi32>], vector<16xi32>,
    %add3A_89 = arith.constant 16 : i32
    %add3A_90 = vector.broadcast %add3A_89 : i32 to vector<16xi32>
    %add3A_91 = arith.addi %iota3A, %add3A_90 : vector<16xi32>
    %gather3A_92 = tpu.vector_load_idx %arg4[%broadcast_in_dim3A_84, %add3A_91] : memref<512x50xi32, #tpu.memory_space<vmem>>[vector<16xi32>, vector<16xi32>], vector<16xi32>,
    tpu.vector_store_idx %arg7[%add3A_91, %gather3A_92], %broadcast_in_dim3A_3 : memref<50x100xi32, #tpu.memory_space<vmem>>[vector<16xi32>, vector<16xi32>], vector<16xi32>,
    %add3A_93 = arith.constant 32 : i32
    %add3A_94 = vector.broadcast %add3A_93 : i32 to vector<16xi32>
    %add3A_95 = arith.addi %iota3A, %add3A_94 : vector<16xi32>
    %gather3A_96 = tpu.vector_load_idx %arg4[%broadcast_in_dim3A_84, %add3A_95] : memref<512x50xi32, #tpu.memory_space<vmem>>[vector<16xi32>, vector<16xi32>], vector<16xi32>,
    tpu.vector_store_idx %arg7[%add3A_95, %gather3A_96], %broadcast_in_dim3A_3 : memref<50x100xi32, #tpu.memory_space<vmem>>[vector<16xi32>, vector<16xi32>], vector<16xi32>,
    %add3A_97 = arith.constant 48 : i32
    %add3A_98 = vector.broadcast %add3A_97 : i32 to vector<16xi32>
    %add3A_99 = arith.addi %iota3A, %add3A_98 : vector<16xi32>
    %min3A_100 = arith.constant 49 : i32
    %min3A_101 = vector.broadcast %min3A_100 : i32 to vector<16xi32>
    %min3A_102 = arith.minsi %add3A_99, %min3A_101 : vector<16xi32>
    %gather3A_103 = tpu.vector_load_idx %arg4[%broadcast_in_dim3A_84, %min3A_102] : memref<512x50xi32, #tpu.memory_space<vmem>>[vector<16xi32>, vector<16xi32>], vector<16xi32>,
    %and3A_104 = arith.constant 127 : i32
    %and3A_105 = vector.broadcast %and3A_104 : i32 to vector<16xi32>
    %and3A_106 = arith.andi %gather3A_103, %and3A_105 : vector<16xi32>
    %min3A_107 = arith.constant 99 : i32
    %min3A_108 = vector.broadcast %min3A_107 : i32 to vector<16xi32>
    %min3A_109 = arith.minsi %and3A_106, %min3A_108 : vector<16xi32>
    tpu.vector_store_idx %arg7[%min3A_102, %min3A_109], %broadcast_in_dim3A_3 masked %lt3A_12 : memref<50x100xi32, #tpu.memory_space<vmem>>[vector<16xi32>, vector<16xi32>], vector<16xi32>, vector<16xi1>
    %add3A_110 = arith.constant 2 : i32
    %add3A_111 = arith.addi %mul3A_2, %add3A_110 : i32
    %dma_start3A_112 = arith.constant 0 : i32
    %dma_start3A_113 = arith.constant 0 : i32
    %dma_start3A_114 = tpu.memref_slice %arg3[%add3A_111, %dma_start3A_112, %dma_start3A_113] : memref<16384x50x100xi32, #tpu.memory_space<hbm>> -> memref<1x50x100xi32, #tpu.memory_space<hbm>>
    %dma_start3A_115 = tpu.memref_squeeze %dma_start3A_114 : memref<1x50x100xi32, #tpu.memory_space<hbm>> -> memref<50x100xi32, #tpu.memory_space<hbm>>
    %dma_start3A_116 = arith.constant 0 : i32
    %dma_start3A_117 = arith.constant 0 : i32
    %dma_start3A_118 = tpu.memref_slice %arg3[%add3A_111, %dma_start3A_116, %dma_start3A_117] : memref<16384x50x100xi32, #tpu.memory_space<hbm>> -> memref<1x50x100xi32, #tpu.memory_space<hbm>>
    %dma_start3A_119 = tpu.memref_squeeze %dma_start3A_118 : memref<1x50x100xi32, #tpu.memory_space<hbm>> -> memref<50x100xi32, #tpu.memory_space<hbm>>
    tpu.enqueue_dma source(%arg7 : memref<50x100xi32, #tpu.memory_space<vmem>>) target(%dma_start3A_119 : memref<50x100xi32, #tpu.memory_space<hbm>>) target_semaphore(%arg11 : memref<!tpu.dma_semaphore, #tpu.memory_space<semaphore_mem>>)
    %broadcast_in_dim3A_120 = arith.constant 3 : i32
    %broadcast_in_dim3A_121 = vector.broadcast %broadcast_in_dim3A_120 : i32 to vector<16xi32>
    %add3A_122 = arith.constant 0 : i32
    %add3A_123 = vector.broadcast %add3A_122 : i32 to vector<16xi32>
    %add3A_124 = arith.addi %iota3A, %add3A_123 : vector<16xi32>
    %gather3A_125 = tpu.vector_load_idx %arg4[%broadcast_in_dim3A_121, %add3A_124] : memref<512x50xi32, #tpu.memory_space<vmem>>[vector<16xi32>, vector<16xi32>], vector<16xi32>,
    tpu.vector_store_idx %arg8[%add3A_124, %gather3A_125], %broadcast_in_dim3A_3 : memref<50x100xi32, #tpu.memory_space<vmem>>[vector<16xi32>, vector<16xi32>], vector<16xi32>,
    %add3A_126 = arith.constant 16 : i32
    %add3A_127 = vector.broadcast %add3A_126 : i32 to vector<16xi32>
    %add3A_128 = arith.addi %iota3A, %add3A_127 : vector<16xi32>
    %gather3A_129 = tpu.vector_load_idx %arg4[%broadcast_in_dim3A_121, %add3A_128] : memref<512x50xi32, #tpu.memory_space<vmem>>[vector<16xi32>, vector<16xi32>], vector<16xi32>,
    tpu.vector_store_idx %arg8[%add3A_128, %gather3A_129], %broadcast_in_dim3A_3 : memref<50x100xi32, #tpu.memory_space<vmem>>[vector<16xi32>, vector<16xi32>], vector<16xi32>,
    %add3A_130 = arith.constant 32 : i32
    %add3A_131 = vector.broadcast %add3A_130 : i32 to vector<16xi32>
    %add3A_132 = arith.addi %iota3A, %add3A_131 : vector<16xi32>
    %gather3A_133 = tpu.vector_load_idx %arg4[%broadcast_in_dim3A_121, %add3A_132] : memref<512x50xi32, #tpu.memory_space<vmem>>[vector<16xi32>, vector<16xi32>], vector<16xi32>,
    tpu.vector_store_idx %arg8[%add3A_132, %gather3A_133], %broadcast_in_dim3A_3 : memref<50x100xi32, #tpu.memory_space<vmem>>[vector<16xi32>, vector<16xi32>], vector<16xi32>,
    %add3A_134 = arith.constant 48 : i32
    %add3A_135 = vector.broadcast %add3A_134 : i32 to vector<16xi32>
    %add3A_136 = arith.addi %iota3A, %add3A_135 : vector<16xi32>
    %min3A_137 = arith.constant 49 : i32
    %min3A_138 = vector.broadcast %min3A_137 : i32 to vector<16xi32>
    %min3A_139 = arith.minsi %add3A_136, %min3A_138 : vector<16xi32>
    %gather3A_140 = tpu.vector_load_idx %arg4[%broadcast_in_dim3A_121, %min3A_139] : memref<512x50xi32, #tpu.memory_space<vmem>>[vector<16xi32>, vector<16xi32>], vector<16xi32>,
    %and3A_141 = arith.constant 127 : i32
    %and3A_142 = vector.broadcast %and3A_141 : i32 to vector<16xi32>
    %and3A_143 = arith.andi %gather3A_140, %and3A_142 : vector<16xi32>
    %min3A_144 = arith.constant 99 : i32
    %min3A_145 = vector.broadcast %min3A_144 : i32 to vector<16xi32>
    %min3A_146 = arith.minsi %and3A_143, %min3A_145 : vector<16xi32>
    tpu.vector_store_idx %arg8[%min3A_139, %min3A_146], %broadcast_in_dim3A_3 masked %lt3A_12 : memref<50x100xi32, #tpu.memory_space<vmem>>[vector<16xi32>, vector<16xi32>], vector<16xi32>, vector<16xi1>
    %add3A_147 = arith.constant 3 : i32
    %add3A_148 = arith.addi %mul3A_2, %add3A_147 : i32
    %dma_start3A_149 = arith.constant 0 : i32
    %dma_start3A_150 = arith.constant 0 : i32
    %dma_start3A_151 = tpu.memref_slice %arg3[%add3A_148, %dma_start3A_149, %dma_start3A_150] : memref<16384x50x100xi32, #tpu.memory_space<hbm>> -> memref<1x50x100xi32, #tpu.memory_space<hbm>>
    %dma_start3A_152 = tpu.memref_squeeze %dma_start3A_151 : memref<1x50x100xi32, #tpu.memory_space<hbm>> -> memref<50x100xi32, #tpu.memory_space<hbm>>
    %dma_start3A_153 = arith.constant 0 : i32
    %dma_start3A_154 = arith.constant 0 : i32
    %dma_start3A_155 = tpu.memref_slice %arg3[%add3A_148, %dma_start3A_153, %dma_start3A_154] : memref<16384x50x100xi32, #tpu.memory_space<hbm>> -> memref<1x50x100xi32, #tpu.memory_space<hbm>>
    %dma_start3A_156 = tpu.memref_squeeze %dma_start3A_155 : memref<1x50x100xi32, #tpu.memory_space<hbm>> -> memref<50x100xi32, #tpu.memory_space<hbm>>
    tpu.enqueue_dma source(%arg8 : memref<50x100xi32, #tpu.memory_space<vmem>>) target(%dma_start3A_156 : memref<50x100xi32, #tpu.memory_space<hbm>>) target_semaphore(%arg12 : memref<!tpu.dma_semaphore, #tpu.memory_space<semaphore_mem>>)
    %scan3A_157 = arith.constant 0 : i32
    %scan3A_158 = arith.constant 1 : i32
    %scan3A_159 = arith.constant 127 : i32
    %scan3A_160 = arith.addi %scan3A_158, %scan3A_159 : i32
    %scan3A_161 = arith.constant 1 : i32
    scf.for %scan3A_217 = %scan3A_158 to %scan3A_160 step %scan3A_161  : i32 {
      %mul3A_218 = arith.constant 4 : i32
      %mul3A_219 = arith.muli %mul3A_218, %scan3A_217 : i32
      %add3A_220 = arith.constant 0 : i32
      %add3A_221 = arith.addi %mul3A_219, %add3A_220 : i32
      %add3A_222 = arith.addi %mul3A_2, %add3A_221 : i32
      %dma_wait3A_223 = arith.constant 0 : i32
      %dma_wait3A_224 = arith.constant 0 : i32
      %dma_wait3A_225 = tpu.memref_slice %arg3[%add3A_222, %dma_wait3A_223, %dma_wait3A_224] : memref<16384x50x100xi32, #tpu.memory_space<hbm>> -> memref<1x50x100xi32, #tpu.memory_space<hbm>>
      %dma_wait3A_226 = tpu.memref_squeeze %dma_wait3A_225 : memref<1x50x100xi32, #tpu.memory_space<hbm>> -> memref<50x100xi32, #tpu.memory_space<hbm>>
      %dma_wait3A_227 = arith.constant 0 : i32
      %dma_wait3A_228 = arith.constant 0 : i32
      %dma_wait3A_229 = tpu.memref_slice %arg3[%add3A_222, %dma_wait3A_227, %dma_wait3A_228] : memref<16384x50x100xi32, #tpu.memory_space<hbm>> -> memref<1x50x100xi32, #tpu.memory_space<hbm>>
      %dma_wait3A_230 = tpu.memref_squeeze %dma_wait3A_229 : memref<1x50x100xi32, #tpu.memory_space<hbm>> -> memref<50x100xi32, #tpu.memory_space<hbm>>
      tpu.wait_dma2 semaphore(%arg9 : memref<!tpu.dma_semaphore, #tpu.memory_space<semaphore_mem>>) src(%arg5 : memref<50x100xi32, #tpu.memory_space<vmem>>) dst(%dma_wait3A_230 : memref<50x100xi32, #tpu.memory_space<hbm>>)
      %sub3A_231 = arith.constant 4 : i32
      %sub3A_232 = arith.subi %add3A_221, %sub3A_231 : i32
      %broadcast_in_dim3A_233 = vector.broadcast %sub3A_232 : i32 to vector<16xi32>
      %add3A_234 = arith.constant 0 : i32
      %add3A_235 = vector.broadcast %add3A_234 : i32 to vector<16xi32>
      %add3A_236 = arith.addi %iota3A, %add3A_235 : vector<16xi32>
      %gather3A_237 = tpu.vector_load_idx %arg4[%broadcast_in_dim3A_233, %add3A_236] : memref<512x50xi32, #tpu.memory_space<vmem>>[vector<16xi32>, vector<16xi32>], vector<16xi32>,
      tpu.vector_store_idx %arg5[%add3A_236, %gather3A_237], %broadcast_in_dim3A_5 : memref<50x100xi32, #tpu.memory_space<vmem>>[vector<16xi32>, vector<16xi32>], vector<16xi32>,
      %add3A_238 = arith.constant 16 : i32
      %add3A_239 = vector.broadcast %add3A_238 : i32 to vector<16xi32>
      %add3A_240 = arith.addi %iota3A, %add3A_239 : vector<16xi32>
      %gather3A_241 = tpu.vector_load_idx %arg4[%broadcast_in_dim3A_233, %add3A_240] : memref<512x50xi32, #tpu.memory_space<vmem>>[vector<16xi32>, vector<16xi32>], vector<16xi32>,
      tpu.vector_store_idx %arg5[%add3A_240, %gather3A_241], %broadcast_in_dim3A_5 : memref<50x100xi32, #tpu.memory_space<vmem>>[vector<16xi32>, vector<16xi32>], vector<16xi32>,
      %add3A_242 = arith.constant 32 : i32
      %add3A_243 = vector.broadcast %add3A_242 : i32 to vector<16xi32>
      %add3A_244 = arith.addi %iota3A, %add3A_243 : vector<16xi32>
      %gather3A_245 = tpu.vector_load_idx %arg4[%broadcast_in_dim3A_233, %add3A_244] : memref<512x50xi32, #tpu.memory_space<vmem>>[vector<16xi32>, vector<16xi32>], vector<16xi32>,
      tpu.vector_store_idx %arg5[%add3A_244, %gather3A_245], %broadcast_in_dim3A_5 : memref<50x100xi32, #tpu.memory_space<vmem>>[vector<16xi32>, vector<16xi32>], vector<16xi32>,
      %add3A_246 = arith.constant 48 : i32
      %add3A_247 = vector.broadcast %add3A_246 : i32 to vector<16xi32>
      %add3A_248 = arith.addi %iota3A, %add3A_247 : vector<16xi32>
      %min3A_249 = arith.constant 49 : i32
      %min3A_250 = vector.broadcast %min3A_249 : i32 to vector<16xi32>
      %min3A_251 = arith.minsi %add3A_248, %min3A_250 : vector<16xi32>
      %gather3A_252 = tpu.vector_load_idx %arg4[%broadcast_in_dim3A_233, %min3A_251] : memref<512x50xi32, #tpu.memory_space<vmem>>[vector<16xi32>, vector<16xi32>], vector<16xi32>,
      %and3A_253 = arith.constant 127 : i32
      %and3A_254 = vector.broadcast %and3A_253 : i32 to vector<16xi32>
      %and3A_255 = arith.andi %gather3A_252, %and3A_254 : vector<16xi32>
      %min3A_256 = arith.constant 99 : i32
      %min3A_257 = vector.broadcast %min3A_256 : i32 to vector<16xi32>
      %min3A_258 = arith.minsi %and3A_255, %min3A_257 : vector<16xi32>
      tpu.vector_store_idx %arg5[%min3A_251, %min3A_258], %broadcast_in_dim3A_5 masked %lt3A_12 : memref<50x100xi32, #tpu.memory_space<vmem>>[vector<16xi32>, vector<16xi32>], vector<16xi32>, vector<16xi1>
      %broadcast_in_dim3A_259 = vector.broadcast %add3A_221 : i32 to vector<16xi32>
      %add3A_260 = arith.constant 0 : i32
      %add3A_261 = vector.broadcast %add3A_260 : i32 to vector<16xi32>
      %add3A_262 = arith.addi %iota3A, %add3A_261 : vector<16xi32>
      %gather3A_263 = tpu.vector_load_idx %arg4[%broadcast_in_dim3A_259, %add3A_262] : memref<512x50xi32, #tpu.memory_space<vmem>>[vector<16xi32>, vector<16xi32>], vector<16xi32>,
      tpu.vector_store_idx %arg5[%add3A_262, %gather3A_263], %broadcast_in_dim3A_3 : memref<50x100xi32, #tpu.memory_space<vmem>>[vector<16xi32>, vector<16xi32>], vector<16xi32>,
      %add3A_264 = arith.constant 16 : i32
      %add3A_265 = vector.broadcast %add3A_264 : i32 to vector<16xi32>
      %add3A_266 = arith.addi %iota3A, %add3A_265 : vector<16xi32>
      %gather3A_267 = tpu.vector_load_idx %arg4[%broadcast_in_dim3A_259, %add3A_266] : memref<512x50xi32, #tpu.memory_space<vmem>>[vector<16xi32>, vector<16xi32>], vector<16xi32>,
      tpu.vector_store_idx %arg5[%add3A_266, %gather3A_267], %broadcast_in_dim3A_3 : memref<50x100xi32, #tpu.memory_space<vmem>>[vector<16xi32>, vector<16xi32>], vector<16xi32>,
      %add3A_268 = arith.constant 32 : i32
      %add3A_269 = vector.broadcast %add3A_268 : i32 to vector<16xi32>
      %add3A_270 = arith.addi %iota3A, %add3A_269 : vector<16xi32>
      %gather3A_271 = tpu.vector_load_idx %arg4[%broadcast_in_dim3A_259, %add3A_270] : memref<512x50xi32, #tpu.memory_space<vmem>>[vector<16xi32>, vector<16xi32>], vector<16xi32>,
      tpu.vector_store_idx %arg5[%add3A_270, %gather3A_271], %broadcast_in_dim3A_3 : memref<50x100xi32, #tpu.memory_space<vmem>>[vector<16xi32>, vector<16xi32>], vector<16xi32>,
      %add3A_272 = arith.constant 48 : i32
      %add3A_273 = vector.broadcast %add3A_272 : i32 to vector<16xi32>
      %add3A_274 = arith.addi %iota3A, %add3A_273 : vector<16xi32>
      %min3A_275 = arith.constant 49 : i32
      %min3A_276 = vector.broadcast %min3A_275 : i32 to vector<16xi32>
      %min3A_277 = arith.minsi %add3A_274, %min3A_276 : vector<16xi32>
      %gather3A_278 = tpu.vector_load_idx %arg4[%broadcast_in_dim3A_259, %min3A_277] : memref<512x50xi32, #tpu.memory_space<vmem>>[vector<16xi32>, vector<16xi32>], vector<16xi32>,
      %and3A_279 = arith.constant 127 : i32
      %and3A_280 = vector.broadcast %and3A_279 : i32 to vector<16xi32>
      %and3A_281 = arith.andi %gather3A_278, %and3A_280 : vector<16xi32>
      %min3A_282 = arith.constant 99 : i32
      %min3A_283 = vector.broadcast %min3A_282 : i32 to vector<16xi32>
      %min3A_284 = arith.minsi %and3A_281, %min3A_283 : vector<16xi32>
      tpu.vector_store_idx %arg5[%min3A_277, %min3A_284], %broadcast_in_dim3A_3 masked %lt3A_12 : memref<50x100xi32, #tpu.memory_space<vmem>>[vector<16xi32>, vector<16xi32>], vector<16xi32>, vector<16xi1>
      %add3A_285 = arith.addi %mul3A_2, %add3A_221 : i32
      %dma_start3A_286 = arith.constant 0 : i32
      %dma_start3A_287 = arith.constant 0 : i32
      %dma_start3A_288 = tpu.memref_slice %arg3[%add3A_285, %dma_start3A_286, %dma_start3A_287] : memref<16384x50x100xi32, #tpu.memory_space<hbm>> -> memref<1x50x100xi32, #tpu.memory_space<hbm>>
      %dma_start3A_289 = tpu.memref_squeeze %dma_start3A_288 : memref<1x50x100xi32, #tpu.memory_space<hbm>> -> memref<50x100xi32, #tpu.memory_space<hbm>>
      %dma_start3A_290 = arith.constant 0 : i32
      %dma_start3A_291 = arith.constant 0 : i32
      %dma_start3A_292 = tpu.memref_slice %arg3[%add3A_285, %dma_start3A_290, %dma_start3A_291] : memref<16384x50x100xi32, #tpu.memory_space<hbm>> -> memref<1x50x100xi32, #tpu.memory_space<hbm>>
      %dma_start3A_293 = tpu.memref_squeeze %dma_start3A_292 : memref<1x50x100xi32, #tpu.memory_space<hbm>> -> memref<50x100xi32, #tpu.memory_space<hbm>>
      tpu.enqueue_dma source(%arg5 : memref<50x100xi32, #tpu.memory_space<vmem>>) target(%dma_start3A_293 : memref<50x100xi32, #tpu.memory_space<hbm>>) target_semaphore(%arg9 : memref<!tpu.dma_semaphore, #tpu.memory_space<semaphore_mem>>)
      %add3A_294 = arith.constant 1 : i32
      %add3A_295 = arith.addi %mul3A_219, %add3A_294 : i32
      %add3A_296 = arith.addi %mul3A_2, %add3A_295 : i32
      %dma_wait3A_297 = arith.constant 0 : i32
      %dma_wait3A_298 = arith.constant 0 : i32
      %dma_wait3A_299 = tpu.memref_slice %arg3[%add3A_296, %dma_wait3A_297, %dma_wait3A_298] : memref<16384x50x100xi32, #tpu.memory_space<hbm>> -> memref<1x50x100xi32, #tpu.memory_space<hbm>>
      %dma_wait3A_300 = tpu.memref_squeeze %dma_wait3A_299 : memref<1x50x100xi32, #tpu.memory_space<hbm>> -> memref<50x100xi32, #tpu.memory_space<hbm>>
      %dma_wait3A_301 = arith.constant 0 : i32
      %dma_wait3A_302 = arith.constant 0 : i32
      %dma_wait3A_303 = tpu.memref_slice %arg3[%add3A_296, %dma_wait3A_301, %dma_wait3A_302] : memref<16384x50x100xi32, #tpu.memory_space<hbm>> -> memref<1x50x100xi32, #tpu.memory_space<hbm>>
      %dma_wait3A_304 = tpu.memref_squeeze %dma_wait3A_303 : memref<1x50x100xi32, #tpu.memory_space<hbm>> -> memref<50x100xi32, #tpu.memory_space<hbm>>
      tpu.wait_dma2 semaphore(%arg10 : memref<!tpu.dma_semaphore, #tpu.memory_space<semaphore_mem>>) src(%arg6 : memref<50x100xi32, #tpu.memory_space<vmem>>) dst(%dma_wait3A_304 : memref<50x100xi32, #tpu.memory_space<hbm>>)
      %sub3A_305 = arith.constant 4 : i32
      %sub3A_306 = arith.subi %add3A_295, %sub3A_305 : i32
      %broadcast_in_dim3A_307 = vector.broadcast %sub3A_306 : i32 to vector<16xi32>
      %add3A_308 = arith.constant 0 : i32
      %add3A_309 = vector.broadcast %add3A_308 : i32 to vector<16xi32>
      %add3A_310 = arith.addi %iota3A, %add3A_309 : vector<16xi32>
      %gather3A_311 = tpu.vector_load_idx %arg4[%broadcast_in_dim3A_307, %add3A_310] : memref<512x50xi32, #tpu.memory_space<vmem>>[vector<16xi32>, vector<16xi32>], vector<16xi32>,
      tpu.vector_store_idx %arg6[%add3A_310, %gather3A_311], %broadcast_in_dim3A_5 : memref<50x100xi32, #tpu.memory_space<vmem>>[vector<16xi32>, vector<16xi32>], vector<16xi32>,
      %add3A_312 = arith.constant 16 : i32
      %add3A_313 = vector.broadcast %add3A_312 : i32 to vector<16xi32>
      %add3A_314 = arith.addi %iota3A, %add3A_313 : vector<16xi32>
      %gather3A_315 = tpu.vector_load_idx %arg4[%broadcast_in_dim3A_307, %add3A_314] : memref<512x50xi32, #tpu.memory_space<vmem>>[vector<16xi32>, vector<16xi32>], vector<16xi32>,
      tpu.vector_store_idx %arg6[%add3A_314, %gather3A_315], %broadcast_in_dim3A_5 : memref<50x100xi32, #tpu.memory_space<vmem>>[vector<16xi32>, vector<16xi32>], vector<16xi32>,
      %add3A_316 = arith.constant 32 : i32
      %add3A_317 = vector.broadcast %add3A_316 : i32 to vector<16xi32>
      %add3A_318 = arith.addi %iota3A, %add3A_317 : vector<16xi32>
      %gather3A_319 = tpu.vector_load_idx %arg4[%broadcast_in_dim3A_307, %add3A_318] : memref<512x50xi32, #tpu.memory_space<vmem>>[vector<16xi32>, vector<16xi32>], vector<16xi32>,
      tpu.vector_store_idx %arg6[%add3A_318, %gather3A_319], %broadcast_in_dim3A_5 : memref<50x100xi32, #tpu.memory_space<vmem>>[vector<16xi32>, vector<16xi32>], vector<16xi32>,
      %add3A_320 = arith.constant 48 : i32
      %add3A_321 = vector.broadcast %add3A_320 : i32 to vector<16xi32>
      %add3A_322 = arith.addi %iota3A, %add3A_321 : vector<16xi32>
      %min3A_323 = arith.constant 49 : i32
      %min3A_324 = vector.broadcast %min3A_323 : i32 to vector<16xi32>
      %min3A_325 = arith.minsi %add3A_322, %min3A_324 : vector<16xi32>
      %gather3A_326 = tpu.vector_load_idx %arg4[%broadcast_in_dim3A_307, %min3A_325] : memref<512x50xi32, #tpu.memory_space<vmem>>[vector<16xi32>, vector<16xi32>], vector<16xi32>,
      %and3A_327 = arith.constant 127 : i32
      %and3A_328 = vector.broadcast %and3A_327 : i32 to vector<16xi32>
      %and3A_329 = arith.andi %gather3A_326, %and3A_328 : vector<16xi32>
      %min3A_330 = arith.constant 99 : i32
      %min3A_331 = vector.broadcast %min3A_330 : i32 to vector<16xi32>
      %min3A_332 = arith.minsi %and3A_329, %min3A_331 : vector<16xi32>
      tpu.vector_store_idx %arg6[%min3A_325, %min3A_332], %broadcast_in_dim3A_5 masked %lt3A_12 : memref<50x100xi32, #tpu.memory_space<vmem>>[vector<16xi32>, vector<16xi32>], vector<16xi32>, vector<16xi1>
      %broadcast_in_dim3A_333 = vector.broadcast %add3A_295 : i32 to vector<16xi32>
      %add3A_334 = arith.constant 0 : i32
      %add3A_335 = vector.broadcast %add3A_334 : i32 to vector<16xi32>
      %add3A_336 = arith.addi %iota3A, %add3A_335 : vector<16xi32>
      %gather3A_337 = tpu.vector_load_idx %arg4[%broadcast_in_dim3A_333, %add3A_336] : memref<512x50xi32, #tpu.memory_space<vmem>>[vector<16xi32>, vector<16xi32>], vector<16xi32>,
      tpu.vector_store_idx %arg6[%add3A_336, %gather3A_337], %broadcast_in_dim3A_3 : memref<50x100xi32, #tpu.memory_space<vmem>>[vector<16xi32>, vector<16xi32>], vector<16xi32>,
      %add3A_338 = arith.constant 16 : i32
      %add3A_339 = vector.broadcast %add3A_338 : i32 to vector<16xi32>
      %add3A_340 = arith.addi %iota3A, %add3A_339 : vector<16xi32>
      %gather3A_341 = tpu.vector_load_idx %arg4[%broadcast_in_dim3A_333, %add3A_340] : memref<512x50xi32, #tpu.memory_space<vmem>>[vector<16xi32>, vector<16xi32>], vector<16xi32>,
      tpu.vector_store_idx %arg6[%add3A_340, %gather3A_341], %broadcast_in_dim3A_3 : memref<50x100xi32, #tpu.memory_space<vmem>>[vector<16xi32>, vector<16xi32>], vector<16xi32>,
      %add3A_342 = arith.constant 32 : i32
      %add3A_343 = vector.broadcast %add3A_342 : i32 to vector<16xi32>
      %add3A_344 = arith.addi %iota3A, %add3A_343 : vector<16xi32>
      %gather3A_345 = tpu.vector_load_idx %arg4[%broadcast_in_dim3A_333, %add3A_344] : memref<512x50xi32, #tpu.memory_space<vmem>>[vector<16xi32>, vector<16xi32>], vector<16xi32>,
      tpu.vector_store_idx %arg6[%add3A_344, %gather3A_345], %broadcast_in_dim3A_3 : memref<50x100xi32, #tpu.memory_space<vmem>>[vector<16xi32>, vector<16xi32>], vector<16xi32>,
      %add3A_346 = arith.constant 48 : i32
      %add3A_347 = vector.broadcast %add3A_346 : i32 to vector<16xi32>
      %add3A_348 = arith.addi %iota3A, %add3A_347 : vector<16xi32>
      %min3A_349 = arith.constant 49 : i32
      %min3A_350 = vector.broadcast %min3A_349 : i32 to vector<16xi32>
      %min3A_351 = arith.minsi %add3A_348, %min3A_350 : vector<16xi32>
      %gather3A_352 = tpu.vector_load_idx %arg4[%broadcast_in_dim3A_333, %min3A_351] : memref<512x50xi32, #tpu.memory_space<vmem>>[vector<16xi32>, vector<16xi32>], vector<16xi32>,
      %and3A_353 = arith.constant 127 : i32
      %and3A_354 = vector.broadcast %and3A_353 : i32 to vector<16xi32>
      %and3A_355 = arith.andi %gather3A_352, %and3A_354 : vector<16xi32>
      %min3A_356 = arith.constant 99 : i32
      %min3A_357 = vector.broadcast %min3A_356 : i32 to vector<16xi32>
      %min3A_358 = arith.minsi %and3A_355, %min3A_357 : vector<16xi32>
      tpu.vector_store_idx %arg6[%min3A_351, %min3A_358], %broadcast_in_dim3A_3 masked %lt3A_12 : memref<50x100xi32, #tpu.memory_space<vmem>>[vector<16xi32>, vector<16xi32>], vector<16xi32>, vector<16xi1>
      %add3A_359 = arith.addi %mul3A_2, %add3A_295 : i32
      %dma_start3A_360 = arith.constant 0 : i32
      %dma_start3A_361 = arith.constant 0 : i32
      %dma_start3A_362 = tpu.memref_slice %arg3[%add3A_359, %dma_start3A_360, %dma_start3A_361] : memref<16384x50x100xi32, #tpu.memory_space<hbm>> -> memref<1x50x100xi32, #tpu.memory_space<hbm>>
      %dma_start3A_363 = tpu.memref_squeeze %dma_start3A_362 : memref<1x50x100xi32, #tpu.memory_space<hbm>> -> memref<50x100xi32, #tpu.memory_space<hbm>>
      %dma_start3A_364 = arith.constant 0 : i32
      %dma_start3A_365 = arith.constant 0 : i32
      %dma_start3A_366 = tpu.memref_slice %arg3[%add3A_359, %dma_start3A_364, %dma_start3A_365] : memref<16384x50x100xi32, #tpu.memory_space<hbm>> -> memref<1x50x100xi32, #tpu.memory_space<hbm>>
      %dma_start3A_367 = tpu.memref_squeeze %dma_start3A_366 : memref<1x50x100xi32, #tpu.memory_space<hbm>> -> memref<50x100xi32, #tpu.memory_space<hbm>>
      tpu.enqueue_dma source(%arg6 : memref<50x100xi32, #tpu.memory_space<vmem>>) target(%dma_start3A_367 : memref<50x100xi32, #tpu.memory_space<hbm>>) target_semaphore(%arg10 : memref<!tpu.dma_semaphore, #tpu.memory_space<semaphore_mem>>)
      %add3A_368 = arith.constant 2 : i32
      %add3A_369 = arith.addi %mul3A_219, %add3A_368 : i32
      %add3A_370 = arith.addi %mul3A_2, %add3A_369 : i32
      %dma_wait3A_371 = arith.constant 0 : i32
      %dma_wait3A_372 = arith.constant 0 : i32
      %dma_wait3A_373 = tpu.memref_slice %arg3[%add3A_370, %dma_wait3A_371, %dma_wait3A_372] : memref<16384x50x100xi32, #tpu.memory_space<hbm>> -> memref<1x50x100xi32, #tpu.memory_space<hbm>>
      %dma_wait3A_374 = tpu.memref_squeeze %dma_wait3A_373 : memref<1x50x100xi32, #tpu.memory_space<hbm>> -> memref<50x100xi32, #tpu.memory_space<hbm>>
      %dma_wait3A_375 = arith.constant 0 : i32
      %dma_wait3A_376 = arith.constant 0 : i32
      %dma_wait3A_377 = tpu.memref_slice %arg3[%add3A_370, %dma_wait3A_375, %dma_wait3A_376] : memref<16384x50x100xi32, #tpu.memory_space<hbm>> -> memref<1x50x100xi32, #tpu.memory_space<hbm>>
      %dma_wait3A_378 = tpu.memref_squeeze %dma_wait3A_377 : memref<1x50x100xi32, #tpu.memory_space<hbm>> -> memref<50x100xi32, #tpu.memory_space<hbm>>
      tpu.wait_dma2 semaphore(%arg11 : memref<!tpu.dma_semaphore, #tpu.memory_space<semaphore_mem>>) src(%arg7 : memref<50x100xi32, #tpu.memory_space<vmem>>) dst(%dma_wait3A_378 : memref<50x100xi32, #tpu.memory_space<hbm>>)
      %sub3A_379 = arith.constant 4 : i32
      %sub3A_380 = arith.subi %add3A_369, %sub3A_379 : i32
      %broadcast_in_dim3A_381 = vector.broadcast %sub3A_380 : i32 to vector<16xi32>
      %add3A_382 = arith.constant 0 : i32
      %add3A_383 = vector.broadcast %add3A_382 : i32 to vector<16xi32>
      %add3A_384 = arith.addi %iota3A, %add3A_383 : vector<16xi32>
      %gather3A_385 = tpu.vector_load_idx %arg4[%broadcast_in_dim3A_381, %add3A_384] : memref<512x50xi32, #tpu.memory_space<vmem>>[vector<16xi32>, vector<16xi32>], vector<16xi32>,
      tpu.vector_store_idx %arg7[%add3A_384, %gather3A_385], %broadcast_in_dim3A_5 : memref<50x100xi32, #tpu.memory_space<vmem>>[vector<16xi32>, vector<16xi32>], vector<16xi32>,
      %add3A_386 = arith.constant 16 : i32
      %add3A_387 = vector.broadcast %add3A_386 : i32 to vector<16xi32>
      %add3A_388 = arith.addi %iota3A, %add3A_387 : vector<16xi32>
      %gather3A_389 = tpu.vector_load_idx %arg4[%broadcast_in_dim3A_381, %add3A_388] : memref<512x50xi32, #tpu.memory_space<vmem>>[vector<16xi32>, vector<16xi32>], vector<16xi32>,
      tpu.vector_store_idx %arg7[%add3A_388, %gather3A_389], %broadcast_in_dim3A_5 : memref<50x100xi32, #tpu.memory_space<vmem>>[vector<16xi32>, vector<16xi32>], vector<16xi32>,
      %add3A_390 = arith.constant 32 : i32
      %add3A_391 = vector.broadcast %add3A_390 : i32 to vector<16xi32>
      %add3A_392 = arith.addi %iota3A, %add3A_391 : vector<16xi32>
      %gather3A_393 = tpu.vector_load_idx %arg4[%broadcast_in_dim3A_381, %add3A_392] : memref<512x50xi32, #tpu.memory_space<vmem>>[vector<16xi32>, vector<16xi32>], vector<16xi32>,
      tpu.vector_store_idx %arg7[%add3A_392, %gather3A_393], %broadcast_in_dim3A_5 : memref<50x100xi32, #tpu.memory_space<vmem>>[vector<16xi32>, vector<16xi32>], vector<16xi32>,
      %add3A_394 = arith.constant 48 : i32
      %add3A_395 = vector.broadcast %add3A_394 : i32 to vector<16xi32>
      %add3A_396 = arith.addi %iota3A, %add3A_395 : vector<16xi32>
      %min3A_397 = arith.constant 49 : i32
      %min3A_398 = vector.broadcast %min3A_397 : i32 to vector<16xi32>
      %min3A_399 = arith.minsi %add3A_396, %min3A_398 : vector<16xi32>
      %gather3A_400 = tpu.vector_load_idx %arg4[%broadcast_in_dim3A_381, %min3A_399] : memref<512x50xi32, #tpu.memory_space<vmem>>[vector<16xi32>, vector<16xi32>], vector<16xi32>,
      %and3A_401 = arith.constant 127 : i32
      %and3A_402 = vector.broadcast %and3A_401 : i32 to vector<16xi32>
      %and3A_403 = arith.andi %gather3A_400, %and3A_402 : vector<16xi32>
      %min3A_404 = arith.constant 99 : i32
      %min3A_405 = vector.broadcast %min3A_404 : i32 to vector<16xi32>
      %min3A_406 = arith.minsi %and3A_403, %min3A_405 : vector<16xi32>
      tpu.vector_store_idx %arg7[%min3A_399, %min3A_406], %broadcast_in_dim3A_5 masked %lt3A_12 : memref<50x100xi32, #tpu.memory_space<vmem>>[vector<16xi32>, vector<16xi32>], vector<16xi32>, vector<16xi1>
      %broadcast_in_dim3A_407 = vector.broadcast %add3A_369 : i32 to vector<16xi32>
      %add3A_408 = arith.constant 0 : i32
      %add3A_409 = vector.broadcast %add3A_408 : i32 to vector<16xi32>
      %add3A_410 = arith.addi %iota3A, %add3A_409 : vector<16xi32>
      %gather3A_411 = tpu.vector_load_idx %arg4[%broadcast_in_dim3A_407, %add3A_410] : memref<512x50xi32, #tpu.memory_space<vmem>>[vector<16xi32>, vector<16xi32>], vector<16xi32>,
      tpu.vector_store_idx %arg7[%add3A_410, %gather3A_411], %broadcast_in_dim3A_3 : memref<50x100xi32, #tpu.memory_space<vmem>>[vector<16xi32>, vector<16xi32>], vector<16xi32>,
      %add3A_412 = arith.constant 16 : i32
      %add3A_413 = vector.broadcast %add3A_412 : i32 to vector<16xi32>
      %add3A_414 = arith.addi %iota3A, %add3A_413 : vector<16xi32>
      %gather3A_415 = tpu.vector_load_idx %arg4[%broadcast_in_dim3A_407, %add3A_414] : memref<512x50xi32, #tpu.memory_space<vmem>>[vector<16xi32>, vector<16xi32>], vector<16xi32>,
      tpu.vector_store_idx %arg7[%add3A_414, %gather3A_415], %broadcast_in_dim3A_3 : memref<50x100xi32, #tpu.memory_space<vmem>>[vector<16xi32>, vector<16xi32>], vector<16xi32>,
      %add3A_416 = arith.constant 32 : i32
      %add3A_417 = vector.broadcast %add3A_416 : i32 to vector<16xi32>
      %add3A_418 = arith.addi %iota3A, %add3A_417 : vector<16xi32>
      %gather3A_419 = tpu.vector_load_idx %arg4[%broadcast_in_dim3A_407, %add3A_418] : memref<512x50xi32, #tpu.memory_space<vmem>>[vector<16xi32>, vector<16xi32>], vector<16xi32>,
      tpu.vector_store_idx %arg7[%add3A_418, %gather3A_419], %broadcast_in_dim3A_3 : memref<50x100xi32, #tpu.memory_space<vmem>>[vector<16xi32>, vector<16xi32>], vector<16xi32>,
      %add3A_420 = arith.constant 48 : i32
      %add3A_421 = vector.broadcast %add3A_420 : i32 to vector<16xi32>
      %add3A_422 = arith.addi %iota3A, %add3A_421 : vector<16xi32>
      %min3A_423 = arith.constant 49 : i32
      %min3A_424 = vector.broadcast %min3A_423 : i32 to vector<16xi32>
      %min3A_425 = arith.minsi %add3A_422, %min3A_424 : vector<16xi32>
      %gather3A_426 = tpu.vector_load_idx %arg4[%broadcast_in_dim3A_407, %min3A_425] : memref<512x50xi32, #tpu.memory_space<vmem>>[vector<16xi32>, vector<16xi32>], vector<16xi32>,
      %and3A_427 = arith.constant 127 : i32
      %and3A_428 = vector.broadcast %and3A_427 : i32 to vector<16xi32>
      %and3A_429 = arith.andi %gather3A_426, %and3A_428 : vector<16xi32>
      %min3A_430 = arith.constant 99 : i32
      %min3A_431 = vector.broadcast %min3A_430 : i32 to vector<16xi32>
      %min3A_432 = arith.minsi %and3A_429, %min3A_431 : vector<16xi32>
      tpu.vector_store_idx %arg7[%min3A_425, %min3A_432], %broadcast_in_dim3A_3 masked %lt3A_12 : memref<50x100xi32, #tpu.memory_space<vmem>>[vector<16xi32>, vector<16xi32>], vector<16xi32>, vector<16xi1>
      %add3A_433 = arith.addi %mul3A_2, %add3A_369 : i32
      %dma_start3A_434 = arith.constant 0 : i32
      %dma_start3A_435 = arith.constant 0 : i32
      %dma_start3A_436 = tpu.memref_slice %arg3[%add3A_433, %dma_start3A_434, %dma_start3A_435] : memref<16384x50x100xi32, #tpu.memory_space<hbm>> -> memref<1x50x100xi32, #tpu.memory_space<hbm>>
      %dma_start3A_437 = tpu.memref_squeeze %dma_start3A_436 : memref<1x50x100xi32, #tpu.memory_space<hbm>> -> memref<50x100xi32, #tpu.memory_space<hbm>>
      %dma_start3A_438 = arith.constant 0 : i32
      %dma_start3A_439 = arith.constant 0 : i32
      %dma_start3A_440 = tpu.memref_slice %arg3[%add3A_433, %dma_start3A_438, %dma_start3A_439] : memref<16384x50x100xi32, #tpu.memory_space<hbm>> -> memref<1x50x100xi32, #tpu.memory_space<hbm>>
      %dma_start3A_441 = tpu.memref_squeeze %dma_start3A_440 : memref<1x50x100xi32, #tpu.memory_space<hbm>> -> memref<50x100xi32, #tpu.memory_space<hbm>>
      tpu.enqueue_dma source(%arg7 : memref<50x100xi32, #tpu.memory_space<vmem>>) target(%dma_start3A_441 : memref<50x100xi32, #tpu.memory_space<hbm>>) target_semaphore(%arg11 : memref<!tpu.dma_semaphore, #tpu.memory_space<semaphore_mem>>)
      %add3A_442 = arith.constant 3 : i32
      %add3A_443 = arith.addi %mul3A_219, %add3A_442 : i32
      %add3A_444 = arith.addi %mul3A_2, %add3A_443 : i32
      %dma_wait3A_445 = arith.constant 0 : i32
      %dma_wait3A_446 = arith.constant 0 : i32
      %dma_wait3A_447 = tpu.memref_slice %arg3[%add3A_444, %dma_wait3A_445, %dma_wait3A_446] : memref<16384x50x100xi32, #tpu.memory_space<hbm>> -> memref<1x50x100xi32, #tpu.memory_space<hbm>>
      %dma_wait3A_448 = tpu.memref_squeeze %dma_wait3A_447 : memref<1x50x100xi32, #tpu.memory_space<hbm>> -> memref<50x100xi32, #tpu.memory_space<hbm>>
      %dma_wait3A_449 = arith.constant 0 : i32
      %dma_wait3A_450 = arith.constant 0 : i32
      %dma_wait3A_451 = tpu.memref_slice %arg3[%add3A_444, %dma_wait3A_449, %dma_wait3A_450] : memref<16384x50x100xi32, #tpu.memory_space<hbm>> -> memref<1x50x100xi32, #tpu.memory_space<hbm>>
      %dma_wait3A_452 = tpu.memref_squeeze %dma_wait3A_451 : memref<1x50x100xi32, #tpu.memory_space<hbm>> -> memref<50x100xi32, #tpu.memory_space<hbm>>
      tpu.wait_dma2 semaphore(%arg12 : memref<!tpu.dma_semaphore, #tpu.memory_space<semaphore_mem>>) src(%arg8 : memref<50x100xi32, #tpu.memory_space<vmem>>) dst(%dma_wait3A_452 : memref<50x100xi32, #tpu.memory_space<hbm>>)
      %sub3A_453 = arith.constant 4 : i32
      %sub3A_454 = arith.subi %add3A_443, %sub3A_453 : i32
      %broadcast_in_dim3A_455 = vector.broadcast %sub3A_454 : i32 to vector<16xi32>
      %add3A_456 = arith.constant 0 : i32
      %add3A_457 = vector.broadcast %add3A_456 : i32 to vector<16xi32>
      %add3A_458 = arith.addi %iota3A, %add3A_457 : vector<16xi32>
      %gather3A_459 = tpu.vector_load_idx %arg4[%broadcast_in_dim3A_455, %add3A_458] : memref<512x50xi32, #tpu.memory_space<vmem>>[vector<16xi32>, vector<16xi32>], vector<16xi32>,
      tpu.vector_store_idx %arg8[%add3A_458, %gather3A_459], %broadcast_in_dim3A_5 : memref<50x100xi32, #tpu.memory_space<vmem>>[vector<16xi32>, vector<16xi32>], vector<16xi32>,
      %add3A_460 = arith.constant 16 : i32
      %add3A_461 = vector.broadcast %add3A_460 : i32 to vector<16xi32>
      %add3A_462 = arith.addi %iota3A, %add3A_461 : vector<16xi32>
      %gather3A_463 = tpu.vector_load_idx %arg4[%broadcast_in_dim3A_455, %add3A_462] : memref<512x50xi32, #tpu.memory_space<vmem>>[vector<16xi32>, vector<16xi32>], vector<16xi32>,
      tpu.vector_store_idx %arg8[%add3A_462, %gather3A_463], %broadcast_in_dim3A_5 : memref<50x100xi32, #tpu.memory_space<vmem>>[vector<16xi32>, vector<16xi32>], vector<16xi32>,
      %add3A_464 = arith.constant 32 : i32
      %add3A_465 = vector.broadcast %add3A_464 : i32 to vector<16xi32>
      %add3A_466 = arith.addi %iota3A, %add3A_465 : vector<16xi32>
      %gather3A_467 = tpu.vector_load_idx %arg4[%broadcast_in_dim3A_455, %add3A_466] : memref<512x50xi32, #tpu.memory_space<vmem>>[vector<16xi32>, vector<16xi32>], vector<16xi32>,
      tpu.vector_store_idx %arg8[%add3A_466, %gather3A_467], %broadcast_in_dim3A_5 : memref<50x100xi32, #tpu.memory_space<vmem>>[vector<16xi32>, vector<16xi32>], vector<16xi32>,
      %add3A_468 = arith.constant 48 : i32
      %add3A_469 = vector.broadcast %add3A_468 : i32 to vector<16xi32>
      %add3A_470 = arith.addi %iota3A, %add3A_469 : vector<16xi32>
      %min3A_471 = arith.constant 49 : i32
      %min3A_472 = vector.broadcast %min3A_471 : i32 to vector<16xi32>
      %min3A_473 = arith.minsi %add3A_470, %min3A_472 : vector<16xi32>
      %gather3A_474 = tpu.vector_load_idx %arg4[%broadcast_in_dim3A_455, %min3A_473] : memref<512x50xi32, #tpu.memory_space<vmem>>[vector<16xi32>, vector<16xi32>], vector<16xi32>,
      %and3A_475 = arith.constant 127 : i32
      %and3A_476 = vector.broadcast %and3A_475 : i32 to vector<16xi32>
      %and3A_477 = arith.andi %gather3A_474, %and3A_476 : vector<16xi32>
      %min3A_478 = arith.constant 99 : i32
      %min3A_479 = vector.broadcast %min3A_478 : i32 to vector<16xi32>
      %min3A_480 = arith.minsi %and3A_477, %min3A_479 : vector<16xi32>
      tpu.vector_store_idx %arg8[%min3A_473, %min3A_480], %broadcast_in_dim3A_5 masked %lt3A_12 : memref<50x100xi32, #tpu.memory_space<vmem>>[vector<16xi32>, vector<16xi32>], vector<16xi32>, vector<16xi1>
      %broadcast_in_dim3A_481 = vector.broadcast %add3A_443 : i32 to vector<16xi32>
      %add3A_482 = arith.constant 0 : i32
      %add3A_483 = vector.broadcast %add3A_482 : i32 to vector<16xi32>
      %add3A_484 = arith.addi %iota3A, %add3A_483 : vector<16xi32>
      %gather3A_485 = tpu.vector_load_idx %arg4[%broadcast_in_dim3A_481, %add3A_484] : memref<512x50xi32, #tpu.memory_space<vmem>>[vector<16xi32>, vector<16xi32>], vector<16xi32>,
      tpu.vector_store_idx %arg8[%add3A_484, %gather3A_485], %broadcast_in_dim3A_3 : memref<50x100xi32, #tpu.memory_space<vmem>>[vector<16xi32>, vector<16xi32>], vector<16xi32>,
      %add3A_486 = arith.constant 16 : i32
      %add3A_487 = vector.broadcast %add3A_486 : i32 to vector<16xi32>
      %add3A_488 = arith.addi %iota3A, %add3A_487 : vector<16xi32>
      %gather3A_489 = tpu.vector_load_idx %arg4[%broadcast_in_dim3A_481, %add3A_488] : memref<512x50xi32, #tpu.memory_space<vmem>>[vector<16xi32>, vector<16xi32>], vector<16xi32>,
      tpu.vector_store_idx %arg8[%add3A_488, %gather3A_489], %broadcast_in_dim3A_3 : memref<50x100xi32, #tpu.memory_space<vmem>>[vector<16xi32>, vector<16xi32>], vector<16xi32>,
      %add3A_490 = arith.constant 32 : i32
      %add3A_491 = vector.broadcast %add3A_490 : i32 to vector<16xi32>
      %add3A_492 = arith.addi %iota3A, %add3A_491 : vector<16xi32>
      %gather3A_493 = tpu.vector_load_idx %arg4[%broadcast_in_dim3A_481, %add3A_492] : memref<512x50xi32, #tpu.memory_space<vmem>>[vector<16xi32>, vector<16xi32>], vector<16xi32>,
      tpu.vector_store_idx %arg8[%add3A_492, %gather3A_493], %broadcast_in_dim3A_3 : memref<50x100xi32, #tpu.memory_space<vmem>>[vector<16xi32>, vector<16xi32>], vector<16xi32>,
      %add3A_494 = arith.constant 48 : i32
      %add3A_495 = vector.broadcast %add3A_494 : i32 to vector<16xi32>
      %add3A_496 = arith.addi %iota3A, %add3A_495 : vector<16xi32>
      %min3A_497 = arith.constant 49 : i32
      %min3A_498 = vector.broadcast %min3A_497 : i32 to vector<16xi32>
      %min3A_499 = arith.minsi %add3A_496, %min3A_498 : vector<16xi32>
      %gather3A_500 = tpu.vector_load_idx %arg4[%broadcast_in_dim3A_481, %min3A_499] : memref<512x50xi32, #tpu.memory_space<vmem>>[vector<16xi32>, vector<16xi32>], vector<16xi32>,
      %and3A_501 = arith.constant 127 : i32
      %and3A_502 = vector.broadcast %and3A_501 : i32 to vector<16xi32>
      %and3A_503 = arith.andi %gather3A_500, %and3A_502 : vector<16xi32>
      %min3A_504 = arith.constant 99 : i32
      %min3A_505 = vector.broadcast %min3A_504 : i32 to vector<16xi32>
      %min3A_506 = arith.minsi %and3A_503, %min3A_505 : vector<16xi32>
      tpu.vector_store_idx %arg8[%min3A_499, %min3A_506], %broadcast_in_dim3A_3 masked %lt3A_12 : memref<50x100xi32, #tpu.memory_space<vmem>>[vector<16xi32>, vector<16xi32>], vector<16xi32>, vector<16xi1>
      %add3A_507 = arith.addi %mul3A_2, %add3A_443 : i32
      %dma_start3A_508 = arith.constant 0 : i32
      %dma_start3A_509 = arith.constant 0 : i32
      %dma_start3A_510 = tpu.memref_slice %arg3[%add3A_507, %dma_start3A_508, %dma_start3A_509] : memref<16384x50x100xi32, #tpu.memory_space<hbm>> -> memref<1x50x100xi32, #tpu.memory_space<hbm>>
      %dma_start3A_511 = tpu.memref_squeeze %dma_start3A_510 : memref<1x50x100xi32, #tpu.memory_space<hbm>> -> memref<50x100xi32, #tpu.memory_space<hbm>>
      %dma_start3A_512 = arith.constant 0 : i32
      %dma_start3A_513 = arith.constant 0 : i32
      %dma_start3A_514 = tpu.memref_slice %arg3[%add3A_507, %dma_start3A_512, %dma_start3A_513] : memref<16384x50x100xi32, #tpu.memory_space<hbm>> -> memref<1x50x100xi32, #tpu.memory_space<hbm>>
      %dma_start3A_515 = tpu.memref_squeeze %dma_start3A_514 : memref<1x50x100xi32, #tpu.memory_space<hbm>> -> memref<50x100xi32, #tpu.memory_space<hbm>>
      tpu.enqueue_dma source(%arg8 : memref<50x100xi32, #tpu.memory_space<vmem>>) target(%dma_start3A_515 : memref<50x100xi32, #tpu.memory_space<hbm>>) target_semaphore(%arg12 : memref<!tpu.dma_semaphore, #tpu.memory_space<semaphore_mem>>)
    }
    %scan3A_162 = arith.constant 127 : i32
    %add3A_163 = arith.constant 512 : i32
    %add3A_164 = arith.addi %mul3A_2, %add3A_163 : i32
    %sub3A = arith.constant 4 : i32
    %sub3A_165 = arith.subi %add3A_164, %sub3A : i32
    %add3A_166 = arith.constant 0 : i32
    %add3A_167 = arith.addi %sub3A_165, %add3A_166 : i32
    %dma_wait3A = arith.constant 0 : i32
    %dma_wait3A_168 = arith.constant 0 : i32
    %dma_wait3A_169 = tpu.memref_slice %arg3[%add3A_167, %dma_wait3A, %dma_wait3A_168] : memref<16384x50x100xi32, #tpu.memory_space<hbm>> -> memref<1x50x100xi32, #tpu.memory_space<hbm>>
    %dma_wait3A_170 = tpu.memref_squeeze %dma_wait3A_169 : memref<1x50x100xi32, #tpu.memory_space<hbm>> -> memref<50x100xi32, #tpu.memory_space<hbm>>
    %dma_wait3A_171 = arith.constant 0 : i32
    %dma_wait3A_172 = arith.constant 0 : i32
    %dma_wait3A_173 = tpu.memref_slice %arg3[%add3A_167, %dma_wait3A_171, %dma_wait3A_172] : memref<16384x50x100xi32, #tpu.memory_space<hbm>> -> memref<1x50x100xi32, #tpu.memory_space<hbm>>
    %dma_wait3A_174 = tpu.memref_squeeze %dma_wait3A_173 : memref<1x50x100xi32, #tpu.memory_space<hbm>> -> memref<50x100xi32, #tpu.memory_space<hbm>>
    tpu.wait_dma2 semaphore(%arg9 : memref<!tpu.dma_semaphore, #tpu.memory_space<semaphore_mem>>) src(%arg5 : memref<50x100xi32, #tpu.memory_space<vmem>>) dst(%dma_wait3A_174 : memref<50x100xi32, #tpu.memory_space<hbm>>)
    %add3A_175 = arith.constant 512 : i32
    %add3A_176 = arith.addi %mul3A_2, %add3A_175 : i32
    %sub3A_177 = arith.constant 4 : i32
    %sub3A_178 = arith.subi %add3A_176, %sub3A_177 : i32
    %add3A_179 = arith.constant 1 : i32
    %add3A_180 = arith.addi %sub3A_178, %add3A_179 : i32
    %dma_wait3A_181 = arith.constant 0 : i32
    %dma_wait3A_182 = arith.constant 0 : i32
    %dma_wait3A_183 = tpu.memref_slice %arg3[%add3A_180, %dma_wait3A_181, %dma_wait3A_182] : memref<16384x50x100xi32, #tpu.memory_space<hbm>> -> memref<1x50x100xi32, #tpu.memory_space<hbm>>
    %dma_wait3A_184 = tpu.memref_squeeze %dma_wait3A_183 : memref<1x50x100xi32, #tpu.memory_space<hbm>> -> memref<50x100xi32, #tpu.memory_space<hbm>>
    %dma_wait3A_185 = arith.constant 0 : i32
    %dma_wait3A_186 = arith.constant 0 : i32
    %dma_wait3A_187 = tpu.memref_slice %arg3[%add3A_180, %dma_wait3A_185, %dma_wait3A_186] : memref<16384x50x100xi32, #tpu.memory_space<hbm>> -> memref<1x50x100xi32, #tpu.memory_space<hbm>>
    %dma_wait3A_188 = tpu.memref_squeeze %dma_wait3A_187 : memref<1x50x100xi32, #tpu.memory_space<hbm>> -> memref<50x100xi32, #tpu.memory_space<hbm>>
    tpu.wait_dma2 semaphore(%arg10 : memref<!tpu.dma_semaphore, #tpu.memory_space<semaphore_mem>>) src(%arg6 : memref<50x100xi32, #tpu.memory_space<vmem>>) dst(%dma_wait3A_188 : memref<50x100xi32, #tpu.memory_space<hbm>>)
    %add3A_189 = arith.constant 512 : i32
    %add3A_190 = arith.addi %mul3A_2, %add3A_189 : i32
    %sub3A_191 = arith.constant 4 : i32
    %sub3A_192 = arith.subi %add3A_190, %sub3A_191 : i32
    %add3A_193 = arith.constant 2 : i32
    %add3A_194 = arith.addi %sub3A_192, %add3A_193 : i32
    %dma_wait3A_195 = arith.constant 0 : i32
    %dma_wait3A_196 = arith.constant 0 : i32
    %dma_wait3A_197 = tpu.memref_slice %arg3[%add3A_194, %dma_wait3A_195, %dma_wait3A_196] : memref<16384x50x100xi32, #tpu.memory_space<hbm>> -> memref<1x50x100xi32, #tpu.memory_space<hbm>>
    %dma_wait3A_198 = tpu.memref_squeeze %dma_wait3A_197 : memref<1x50x100xi32, #tpu.memory_space<hbm>> -> memref<50x100xi32, #tpu.memory_space<hbm>>
    %dma_wait3A_199 = arith.constant 0 : i32
    %dma_wait3A_200 = arith.constant 0 : i32
    %dma_wait3A_201 = tpu.memref_slice %arg3[%add3A_194, %dma_wait3A_199, %dma_wait3A_200] : memref<16384x50x100xi32, #tpu.memory_space<hbm>> -> memref<1x50x100xi32, #tpu.memory_space<hbm>>
    %dma_wait3A_202 = tpu.memref_squeeze %dma_wait3A_201 : memref<1x50x100xi32, #tpu.memory_space<hbm>> -> memref<50x100xi32, #tpu.memory_space<hbm>>
    tpu.wait_dma2 semaphore(%arg11 : memref<!tpu.dma_semaphore, #tpu.memory_space<semaphore_mem>>) src(%arg7 : memref<50x100xi32, #tpu.memory_space<vmem>>) dst(%dma_wait3A_202 : memref<50x100xi32, #tpu.memory_space<hbm>>)
    %add3A_203 = arith.constant 512 : i32
    %add3A_204 = arith.addi %mul3A_2, %add3A_203 : i32
    %sub3A_205 = arith.constant 4 : i32
    %sub3A_206 = arith.subi %add3A_204, %sub3A_205 : i32
    %add3A_207 = arith.constant 3 : i32
    %add3A_208 = arith.addi %sub3A_206, %add3A_207 : i32
    %dma_wait3A_209 = arith.constant 0 : i32
    %dma_wait3A_210 = arith.constant 0 : i32
    %dma_wait3A_211 = tpu.memref_slice %arg3[%add3A_208, %dma_wait3A_209, %dma_wait3A_210] : memref<16384x50x100xi32, #tpu.memory_space<hbm>> -> memref<1x50x100xi32, #tpu.memory_space<hbm>>
    %dma_wait3A_212 = tpu.memref_squeeze %dma_wait3A_211 : memref<1x50x100xi32, #tpu.memory_space<hbm>> -> memref<50x100xi32, #tpu.memory_space<hbm>>
    %dma_wait3A_213 = arith.constant 0 : i32
    %dma_wait3A_214 = arith.constant 0 : i32
    %dma_wait3A_215 = tpu.memref_slice %arg3[%add3A_208, %dma_wait3A_213, %dma_wait3A_214] : memref<16384x50x100xi32, #tpu.memory_space<hbm>> -> memref<1x50x100xi32, #tpu.memory_space<hbm>>
    %dma_wait3A_216 = tpu.memref_squeeze %dma_wait3A_215 : memref<1x50x100xi32, #tpu.memory_space<hbm>> -> memref<50x100xi32, #tpu.memory_space<hbm>>
    tpu.wait_dma2 semaphore(%arg12 : memref<!tpu.dma_semaphore, #tpu.memory_space<semaphore_mem>>) src(%arg8 : memref<50x100xi32, #tpu.memory_space<vmem>>) dst(%dma_wait3A_216 : memref<50x100xi32, #tpu.memory_space<hbm>>)
    return
  }
}

</mosaic_0001>

<sc_bundles>
// kernel: kernel.3.cloned.1.call-start
scs
__scs_entry_jumppad:
0x0: {  	(pc) =	sbr.rel $0x88, $3  }
0x1: {  	(tag) =	ssettag $0x0;
	lr =	simm.s32 $0x1  }
0x2: {  	[smem:$0x3FA0] =	sst lr;
	_ =	strace $0xD0000000  }
0x3: {  	_ = 	snop  }
0x4: {  	_ = 	snop  }
0x5: {  	_ = 	snop  }
0x6: {  	_ = 	snop  }
0x7: {  	_ = 	snop  }
__scs_overlays_trampoline_lowered:
0x8: {  	[smem:$0x3FAF] =	sst s0  }
0x9: {  	[smem:$0x3FB0] =	sst s1  }
0xa: {  	[smem:$0x3FB1] =	sst s2  }
0xb: {  	[smem:$0x3FB2] =	sst s3  }
0xc: {  	[smem:$0x3FB3] =	sst s4  }
0xd: {  	[smem:$0x3FB4] =	sst s5  }
0xe: {  	[smem:$0x3FB5] =	sst s6  }
0xf: {  	[smem:$0x3FB6] =	sst s7  }
0x10: {  	[smem:$0x3FB7] =	sst s8  }
0x11: {  	[smem:$0x3FB8] =	sst s9;
	s0 =	simm.s32 @!p0 $0x0  }
0x12: {  	s1 =	sld [smem:$0x3F9E];
	s0 =	simm.s32 @p0 $0x1  }
0x13: {  	[smem:$0x3FB9] =	sst s0;
	s0 =	simm.s32 @!p1 $0x0  }
0x14: {  	s2 =	sld [smem:$0x3F9D];
	s0 =	simm.s32 @p1 $0x1  }
0x15: {  	[smem:$0x3FBA] =	sst s0;
	s0 =	simm.s32 @!p2 $0x0  }
0x16: {  	s3 =	sld [smem:$0x3FDB];
	s0 =	simm.s32 @p2 $0x1  }
0x17: {  	s4 =	simm.s32 $0x1BF5;
	[smem:$0x3FBC] =	sst s0  }
0x18: {  	s0 =	sld [smem:$0x3F9F];
	_ =	swait.ge [sflag:s4], $0x0  }
0x19: {  	s7 =	sld [smem:$0x3FA0]  }
0x1a: {  	s8 =	sadd.s32 $0xFFFFE003, lr  }
0x1b: {  	s9 =	sadd.s32 $0xFFFFFEF7, lr;
	s5 =	simm.s32 $0xFFFFFFFF;
	p2 =	slt.u32 s8, $0xFFFFF086  }
0x1c: {  	p1 =	slt.u32 s9, $0xF7A;
	s5 =	simm.s32 @!p2 $0x0  }
0x1d: {  	s5 =	simm.s32 @p1 $0x1;
	p0 =	seq.s32 s7, s2  }
0x1e: {  	s7 =	smul.u32 @!p0 $0xF7A, s2;
	p2 =	seq.s32 @!p0 s5, $0x0  }
0x1f: {  	s9 =	smul.u32 $0xF7A, s1;
	s8 =	simm.s32 @!p0 $0x1BF5;
	p2 =	por !p2, p0  }
0x20: {  	[sflag:s8] =	ssyncset.s32 @!p0 $0xFFFFF086;
	s6 =	sadd.s32 @!p0 s3, s7;
	s7 =	simm.s32 @!p0 $0x108  }
0x21: {  	s3 =	sadd.s32 s3, s9;
	s6 =	sadd.s32 @!p0 $0x88, s6;
	s7 =	simm.s32 @p2 $0x1082  }
0x22: {  	[simem:s7], [sflag:s8] =	dma.local @!p0 [hbm:s6], $0xF7A  }
0x23: {  	s9 =	sor.u32 $0xD0000000, s2;
	s6 =	simm.s32 $0x108;
	_ =	swait.ge @!p0 [sflag:s8], $0x0  }
0x24: {  	s3 =	sadd.s32 $0x88, s3;
	s6 =	simm.s32 @!p1 $0x1082;
	[sflag:s4] =	ssyncset.s32 $0xFFFFF086  }
0x25: {  	[simem:s6], [sflag:s4] =	dma.local [hbm:s3], $0xF7A  }
0x26: {  	[smem:$0x3FA0] =	sst s1;
	(tag) =	ssettag s2;
	_ =	strace s9  }
0x27: {  	s1 =	sld [smem:$0x3FB0]  }
0x28: {  	s2 =	sld [smem:$0x3FB1]  }
0x29: {  	s4 =	sld [smem:$0x3FB3]  }
0x2a: {  	p0 =	seq.s32 s5, $0x0;
	s5 =	sld [smem:$0x3FB4]  }
0x2b: {  	s6 =	sld [smem:$0x3FB5]  }
0x2c: {  	s7 =	sld [smem:$0x3FB6]  }
0x2d: {  	s3 =	simm.s32 $0x108;
	s8 =	sld [smem:$0x3FB7]  }
0x2e: {  	s3 =	simm.s32 @!p0 $0x1082;
	s9 =	sld [smem:$0x3FB8]  }
0x2f: {  	lr =	sadd.s32 s0, s3;
	s0 =	sld [smem:$0x3FAF]  }
0x30: {  	s3 =	sld [smem:$0x3FB2]  }
0x31: {  	[smem:$0x3FBB] =	sst s10  }
0x32: {  	s10 =	sld [smem:$0x3FB9];
	_ =	sdelay $0x3  }
0x33: {  	p0 =	seq.s32 s10, $0x1;
	s10 =	sld [smem:$0x3FBB];
	_ =	sdelay $0x3  }
0x34: {  	[smem:$0x3FBB] =	sst s10  }
0x35: {  	s10 =	sld [smem:$0x3FBA];
	_ =	sdelay $0x3  }
0x36: {  	p1 =	seq.s32 s10, $0x1;
	s10 =	sld [smem:$0x3FBB];
	_ =	sdelay $0x3  }
0x37: {  	[smem:$0x3FBB] =	sst s10  }
0x38: {  	s10 =	sld [smem:$0x3FBC]  }
0x39: {  	_ = 	snop;
	(pc) =	sbr.ind lr, $3  }
0x3a: {  	_ = 	snop  }
0x3b: {  	_ = 	snop  }
0x3c: {  	p2 =	seq.s32 s10, $0x1;
	s10 =	sld [smem:$0x3FBB]  }
0x3d: {  	_ =	shalt  }
0x3e: {  	_ =	shalt  }
0x3f: {  	_ =	shalt  }
0x40: {  	_ =	shalt  }
0x41: {  	_ =	shalt  }
0x42: {  	_ =	shalt  }
0x43: {  	_ =	shalt  }
0x44: {  	_ =	shalt  }
0x45: {  	_ =	shalt  }
0x46: {  	_ =	shalt  }
0x47: {  	_ =	shalt  }
0x48: {  	_ =	shalt  }
0x49: {  	_ =	shalt  }
0x4a: {  	_ =	shalt  }
0x4b: {  	_ =	shalt  }
0x4c: {  	_ =	shalt  }
0x4d: {  	_ =	shalt  }
0x4e: {  	_ =	shalt  }
0x4f: {  	_ =	shalt  }
0x50: {  	_ =	shalt  }
0x51: {  	_ =	shalt  }
0x52: {  	_ =	shalt  }
0x53: {  	_ =	shalt  }
0x54: {  	_ =	shalt  }
0x55: {  	_ =	shalt  }
0x56: {  	_ =	shalt  }
0x57: {  	_ =	shalt  }
0x58: {  	_ =	shalt  }
0x59: {  	_ =	shalt  }
0x5a: {  	_ =	shalt  }
0x5b: {  	_ =	shalt  }
0x5c: {  	_ =	shalt  }
0x5d: {  	_ =	shalt  }
0x5e: {  	_ =	shalt  }
0x5f: {  	_ =	shalt  }
0x60: {  	_ =	shalt  }
0x61: {  	_ =	shalt  }
0x62: {  	_ =	shalt  }
0x63: {  	_ =	shalt  }
0x64: {  	_ =	shalt  }
0x65: {  	_ =	shalt  }
0x66: {  	_ =	shalt  }
0x67: {  	_ =	shalt  }
0x68: {  	_ =	shalt  }
0x69: {  	_ =	shalt  }
0x6a: {  	_ =	shalt  }
0x6b: {  	_ =	shalt  }
0x6c: {  	_ =	shalt  }
0x6d: {  	_ =	shalt  }
0x6e: {  	_ =	shalt  }
0x6f: {  	_ =	shalt  }
0x70: {  	_ =	shalt  }
0x71: {  	_ =	shalt  }
0x72: {  	_ =	shalt  }
0x73: {  	_ =	shalt  }
0x74: {  	_ =	shalt  }
0x75: {  	_ =	shalt  }
0x76: {  	_ =	shalt  }
0x77: {  	_ =	shalt  }
0x78: {  	_ =	shalt  }
0x79: {  	_ =	shalt  }
0x7a: {  	_ =	shalt  }
0x7b: {  	_ =	shalt  }
0x7c: {  	_ =	shalt  }
0x7d: {  	_ =	shalt  }
0x7e: {  	_ =	shalt  }
0x7f: {  	_ =	shalt  }
0x80: {  	_ =	shalt  }
0x81: {  	_ =	shalt  }
0x82: {  	_ =	shalt  }
0x83: {  	_ =	shalt  }
0x84: {  	_ =	shalt  }
0x85: {  	_ =	shalt  }
0x86: {  	_ =	shalt  }
0x87: {  	_ =	shalt  }
.Lfunc_end0:
.L_simem_size_0:
called_computation_lowered:
.L_overlay_start_0:
0x88: {  	s2 =	sld [smem:$0x3FD9]  }
0x89: {  	s3 =	sld [smem:$0x3FFE];
	_ =	sdelay $0x1  }
0x8a: {  	s1 =	srdreg.scid  }
0x8b: {  	s0 =	sand.u32 $0x1, s1  }
0x8c: {  	s17 =	sshll.u32 s0, $0xA;
	s2 =	sadd.s32 s3, s2  }
0x8d: {  	s2 =	sadd.s32 s2, s17  }
0x8e: {  	[smem:$0x3FC7] =	sst s2  }
0x8f: {  	_ = 	snop  }
0x90: {  	s2 =	sld [smem:$0x3FD0];
	(tm) =	ssettm $0x1  }
0x91: {  	s18 =	sld [smem:$0x3FFB];
	_ =	sdelay $0x3  }
0x92: {  	_ =	strace s18  }
0x93: {  	s3 =	sld [smem:$0x3FFC];
	_ =	sdelay $0x3  }
0x94: {  	_ =	strace s3  }
0x95: {  	s3 =	sld [smem:$0x3FFD];
	_ =	sdelay $0x3  }
0x96: {  	_ =	strace s3  }
0x97: {  	_ =	strace $0x8FFFFFFF  }
0x98: {  	s19 =	sld [smem:$0x3FDB];
	_ =	sdelay $0x1  }
0x99: {  	s4 =	simm.s32 $_scs_section_size  }
0x9a: {  	s5 =	simm.s32 $_size__tile_overlayer_lowered;
	s6 =	simm.s32 $_tile_overlayer_lowered  }
0x9b: {  	s22 =	simm.s32 $0x1BFF;
	s21 =	sshll.u32 s6, $0x1;
	s3 =	sadd.s32 s4, s19  }
0x9c: {  	s7 =	simm.s32 $0x0;
	s20 =	sshll.u32 s5, $0x1;
	s5 =	sadd.s32 s21, s3  }
0x9d: {  	[timem:s7], [sflag:s22] =	dma.local [hbm:s5], s20  }
0x9e: {  	_ =	swait.ge [sflag:s22], s20  }
0x9f: {  	s4 =	ssub.s32 $0x0, s20;
	[sflag:s22] =	ssyncset.done $0x0  }
0xa0: {  	[sflag:s22] =	ssyncadd.s32 s4;
	_ =	sdelay $0x1  }
0xa1: {  	s23 =	simm.s32 $0x1B8B  }
0xa2: {  	_ =	swait.ge [sflag:s23], $0x1  }
0xa3: {  	[sflag:s23] =	ssyncset.done $0x0  }
0xa4: {  	s25 =	simm.s32 $0x1B8E;
	s24 =	sld [smem:$0x3FFE];
	[sflag:s23] =	ssyncadd.s32 $0xFFFFFFFF  }
0xa5: {  	s26 =	simm.s32 $execute0_lowered;
	[smem:$0x3FD2] =	sst s25  }
0xa6: {  	s5 =	sshll.u32 s26, $0x1;
	_ =	strace $0x80000046;
	[dreg:$0x1] =	wrdreg $0xFFFFFFFF  }
0xa7: {  	s28 =	simm.s32 $_size_execute0_lowered;
	s3 =	sadd.s32 s3, s5;
	[dreg:$0x0] =	wrdreg $0x0  }
0xa8: {  	s5 =	sshll.u32 s28, $0x1;
	[dreg:$0x2] =	wrdreg s3  }
0xa9: {  	[dreg:$0x3] =	wrdreg s5  }
0xaa: {  	[dreg:$0x4] =	wrdreg $0xC0  }
0xab: {  	_ =	task [dreg:s7], $0x5FFFF  }
0xac: {  	[dreg:$0x1] =	wrdreg $0xFFFFFFFF  }
0xad: {  	[dreg:$0x0] =	wrdreg $0x60  }
0xae: {  	[dreg:$0x2] =	wrdreg s2  }
0xaf: {  	[dreg:$0x3] =	wrdreg s24  }
0xb0: {  	[dreg:$0x4] =	wrdreg $0x9  }
0xb1: {  	_ =	task.clear_ibuf [dreg:s7], $0x5FFFF;
	_ =	strace $0x90000046  }
0xb2: {  	s29 =	simm.s32 $0x9;
	_ =	strace $0x80000048  }
0xb3: {  	_ =	swait.ge [sflag:s29], $0x1  }
0xb4: {  	[sflag:s29] =	ssyncadd.s32 $0xFFFFFFFF  }
0xb5: {  	_ =	strace $0x90000048  }
0xb6: {  	_ =	sfence  }
0xb7: {  	s30 =	sld [smem:$0x0];
	_ =	sdelay $0x2  }
0xb8: {  	s31 =	sshll.u32 s1, $0xD;
	s1 =	sshrl.u32 s1, $0x2  }
0xb9: {  	s3 =	sand.u32 $0x4000, s31;
	s1 =	sadd.s32 s1, s30  }
0xba: {  	s0 =	sor.u32 s3, s0;
	s1 =	sshll.u32 s1, $0x11  }
0xbb: {  	s0 =	sor.u32 s1, s0  }
0xbc: {  	s0 =	sadd.s32 $0x8F2B, s0  }
0xbd: {  	[sflag:s0] =	ssyncadd.remote.s32 $0x1  }
0xbe: {  	_ =	sfence.sel $0xFFFF  }
0xbf: {  	[dreg:$0x0] =	wrdreg $0xFFFFFFFF;
	(pc) =	sbr.abs _section_cstart, $3  }
0xc0: {  	[dreg:$0x1] =	wrdreg $0xFFFFFFFF  }
0xc1: {  	_ =	task.clear_ibuf [dreg:s7], $0x2FFFF;
	_ =	strace $0x9FFFFFFF  }
0xc2: {  	(tm) =	ssettm $0x7FFFFFFF  }
0xc3: {  	_ =	shalt  }
tec
execute0_lowered:
.L_overlay_start_1:
0x0: {  	(tag) =	ssettag $0x1  }
0x1: {  	s4 =	rddreg [dreg:$0x0]  }
0x2: {  	s3 =	rddreg [dreg:$0x1];
	s2 =	srdreg.scid  }
0x3: {  	s0 =	rddreg [dreg:$0x2];
	s1 =	stileid.u32;
	s11 =	simm.s32 $0x10000  }
0x4: {  	v0 =	vlaneseq.u32;
	v1 =	vimm.s32 $0x0;
	s12 =	simm.s32 $0x11C00;
	s13 =	simm.s32 $0x13800;
	s14 =	simm.s32 $0x15400  }
0x5: {  	v9 =	vimm.s32 $0x1;
	v12 =	vimm.s32 $0x31;
	vm0 =	vcmask $0x300;
	s15 =	simm.s32 $0x1;
	s16 =	simm.s32 $0x2;
	s17 =	simm.s32 $0x3  }
0x6: {  	v13 =	vimm.s32 $0x1880;
	v17 =	vimm.s32 $0xB1;
	v21 =	vimm.s32 $0x131;
	s18 =	simm.s32 $0x4;
	s19 =	simm.s32 $0x0;
	s5 =	sand.u32 $0x1, s2  }
0x7: {  	v25 =	vimm.s32 $0x1B1;
	s2 =	simm.s32 $0x0;
	s6 =	sshll.u32 s1, $0xA;
	v2 =	vor.u32 $0x10, v0;
	v3 =	vor.u32 $0x20, v0;
	s10 =	sadd.s32 $0x400, s3  }
0x8: {  	v4 =	vmul.u32 $0x80, v0;
	v5 =	vor.u32 $0x30, v0;
	v6 =	vor.u32 $0x40, v0;
	s30 =	smul.u32 $0xE0000, s1;
	s7 =	sshll.u32 s5, $0x9;
	[smem:$0x7FF] =	sst s2  }
0x9: {  	v7 =	vor.u32 $0x50, v0;
	v8 =	vadd.s32 $0x54, v0;
	v12 =	vsel vm0, $0x30, v12;
	s8 =	ssub.s32 $0x2, s5;
	s31 =	smul.u32 $0x70000, s5;
	s6 =	sor.u32 s7, s6  }
0xa: {  	v13 =	vsel vm0, $0x1800, v13;
	v14 =	vor.u32 $0x80, v0;
	v15 =	vor.u32 $0x90, v0;
	s29 =	sshrl.u32 s8, $0x1;
	s9 =	smul.u32 $0x380, s6;
	s6 =	sshll.u32 s6, $0x4  }
0xb: {  	v16 =	vor.u32 $0xA0, v0;
	v17 =	vsel vm0, $0xB0, v17;
	v18 =	vor.u32 $0x100, v0;
	_ =	strace $0x80000047;
	s8 =	ssub.s32 s8, s29;
	s4 =	sadd.s32 s4, s6  }
0xc: {  	v19 =	vor.u32 $0x110, v0;
	v20 =	vor.u32 $0x120, v0;
	v21 =	vsel vm0, $0x130, v21;
	s8 =	smax.u32 s8, $0x1;
	s3 =	sadd.s32 s10, s9;
	s10 =	sadd.s32 s30, s10  }
0xd: {  	v22 =	vor.u32 $0x180, v0;
	v23 =	vor.u32 $0x190, v0;
	v24 =	vor.u32 $0x1A0, v0;
	s5 =	sadd.s32 $0x380, s3;
	s6 =	sadd.s32 $0x700, s3;
	s9 =	sadd.s32 s31, s10  }
0xe: {  	v25 =	vsel vm0, $0x1B0, v25;
	v10 =	vor.u32 $0x800, v4;
	v11 =	vor.u32 $0x1000, v4;
	s7 =	sadd.s32 $0xA80, s3;
	s10 =	simm.s32 $0x5;
	s9 =	sadd.s32 $0xE00, s9  }
.LBB2_1:
0xf: {  	s20 =	simm.s32 $0x0  }
0x10: {  	v32 =	vor.u32 s20, v0  }
0x11: {  	[tilespmem:s2], [sflag:$0x5] =	stream.linear.gather [hbm4b:s4+s2], $0x10000, $0x38;
	v26 =	vor.u32 s20, v2;
	[tilespmem:$0x17000] =	vst v63  }
0x12: {  	_ =	swait.ge [sflag:s10], $0x10000;
	v27 =	vor.u32 s20, v3  }
0x13: {  	v28 =	vor.u32 s20, v5;
	[sflag:s10] =	ssyncset.done $0x0  }
0x14: {  	v29 =	vor.u32 s20, v6;
	[sflag:s10] =	ssyncadd.s32 $0xFFFF0000  }
0x15: {  	v30 =	vor.u32 s20, v7;
	[tilespmem:v32+s11+$0x0] =	vst.idx.msk $0xffff, v1  }
0x16: {  	v31 =	vor.u32 s20, v8;
	[tilespmem:v26+s11+$0x0] =	vst.idx.msk $0xffff, v1  }
0x17: {  	[tilespmem:v27+s11+$0x0] =	vst.idx.msk $0xffff, v1  }
0x18: {  	[tilespmem:v28+s11+$0x0] =	vst.idx.msk $0xffff, v1  }
0x19: {  	[tilespmem:v29+s11+$0x0] =	vst.idx.msk $0xffff, v1  }
0x1a: {  	[tilespmem:v30+s11+$0x0] =	vst.idx.msk $0xffff, v1  }
0x1b: {  	[tilespmem:v31+s11+$0x0] =	vst.idx.msk $0xffff, v1  }
0x1c: {  	[tilespmem:v32+s12+$0x0] =	vst.idx.msk $0xffff, v1  }
0x1d: {  	[tilespmem:v26+s12+$0x0] =	vst.idx.msk $0xffff, v1  }
0x1e: {  	[tilespmem:v27+s12+$0x0] =	vst.idx.msk $0xffff, v1  }
0x1f: {  	[tilespmem:v28+s12+$0x0] =	vst.idx.msk $0xffff, v1  }
0x20: {  	[tilespmem:v29+s12+$0x0] =	vst.idx.msk $0xffff, v1  }
0x21: {  	[tilespmem:v30+s12+$0x0] =	vst.idx.msk $0xffff, v1  }
0x22: {  	[tilespmem:v31+s12+$0x0] =	vst.idx.msk $0xffff, v1  }
0x23: {  	[tilespmem:v32+s13+$0x0] =	vst.idx.msk $0xffff, v1  }
0x24: {  	[tilespmem:v26+s13+$0x0] =	vst.idx.msk $0xffff, v1  }
0x25: {  	[tilespmem:v27+s13+$0x0] =	vst.idx.msk $0xffff, v1  }
0x26: {  	[tilespmem:v28+s13+$0x0] =	vst.idx.msk $0xffff, v1  }
0x27: {  	[tilespmem:v29+s13+$0x0] =	vst.idx.msk $0xffff, v1  }
0x28: {  	[tilespmem:v30+s13+$0x0] =	vst.idx.msk $0xffff, v1  }
0x29: {  	[tilespmem:v31+s13+$0x0] =	vst.idx.msk $0xffff, v1  }
0x2a: {  	s20 =	simm.s32 $0x1;
	[tilespmem:v32+s14+$0x0] =	vst.idx.msk $0xffff, v1  }
.LBB2_2:
0x2b: {  	s21 =	sshll.u32 s20, $0x7;
	p0 =	sne.s32 s20, $0x31;
	s20 =	sadd.s32 $0x1, s20;
	[tilespmem:v26+s14+$0x0] =	vst.idx.msk $0xffff, v1  }
0x2c: {  	v32 =	vor.u32 s21, v0;
	[tilespmem:v27+s14+$0x0] =	vst.idx.msk $0xffff, v1  }
0x2d: {  	v26 =	vor.u32 s21, v2;
	[tilespmem:v28+s14+$0x0] =	vst.idx.msk $0xffff, v1  }
0x2e: {  	v27 =	vor.u32 s21, v3;
	[tilespmem:v29+s14+$0x0] =	vst.idx.msk $0xffff, v1  }
0x2f: {  	v28 =	vor.u32 s21, v5;
	[tilespmem:v30+s14+$0x0] =	vst.idx.msk $0xffff, v1  }
0x30: {  	v29 =	vor.u32 s21, v6;
	[tilespmem:v31+s14+$0x0] =	vst.idx.msk $0xffff, v1  }
0x31: {  	v30 =	vor.u32 s21, v7;
	[tilespmem:v32+s11+$0x0] =	vst.idx.msk $0xffff, v1  }
0x32: {  	v31 =	vor.u32 s21, v8;
	[tilespmem:v26+s11+$0x0] =	vst.idx.msk $0xffff, v1  }
0x33: {  	[tilespmem:v27+s11+$0x0] =	vst.idx.msk $0xffff, v1  }
0x34: {  	[tilespmem:v28+s11+$0x0] =	vst.idx.msk $0xffff, v1  }
0x35: {  	[tilespmem:v29+s11+$0x0] =	vst.idx.msk $0xffff, v1  }
0x36: {  	[tilespmem:v30+s11+$0x0] =	vst.idx.msk $0xffff, v1  }
0x37: {  	[tilespmem:v31+s11+$0x0] =	vst.idx.msk $0xffff, v1  }
0x38: {  	[tilespmem:v32+s12+$0x0] =	vst.idx.msk $0xffff, v1  }
0x39: {  	[tilespmem:v26+s12+$0x0] =	vst.idx.msk $0xffff, v1  }
0x3a: {  	[tilespmem:v27+s12+$0x0] =	vst.idx.msk $0xffff, v1  }
0x3b: {  	[tilespmem:v28+s12+$0x0] =	vst.idx.msk $0xffff, v1  }
0x3c: {  	[tilespmem:v29+s12+$0x0] =	vst.idx.msk $0xffff, v1  }
0x3d: {  	[tilespmem:v30+s12+$0x0] =	vst.idx.msk $0xffff, v1  }
0x3e: {  	[tilespmem:v31+s12+$0x0] =	vst.idx.msk $0xffff, v1  }
0x3f: {  	[tilespmem:v32+s13+$0x0] =	vst.idx.msk $0xffff, v1  }
0x40: {  	[tilespmem:v26+s13+$0x0] =	vst.idx.msk $0xffff, v1  }
0x41: {  	[tilespmem:v27+s13+$0x0] =	vst.idx.msk $0xffff, v1  }
.Ltmp0:
0x42: {  	[tilespmem:v28+s13+$0x0] =	vst.idx.msk $0xffff, v1;
	(pc) =	sbr.rel @p0 .LBB2_2-.Ltmp0, $4  }
0x43: {  	[tilespmem:v29+s13+$0x0] =	vst.idx.msk $0xffff, v1  }
0x44: {  	[tilespmem:v30+s13+$0x0] =	vst.idx.msk $0xffff, v1  }
0x45: {  	[tilespmem:v31+s13+$0x0] =	vst.idx.msk $0xffff, v1  }
0x46: {  	[tilespmem:v32+s14+$0x0] =	vst.idx.msk $0xffff, v1  }
0x47: {  	_ =	sdelay $0x3  }
0x48: {  	[tilespmem:v26+s14+$0x0] =	vst.idx.msk $0xffff, v1  }
0x49: {  	[tilespmem:v27+s14+$0x0] =	vst.idx.msk $0xffff, v1  }
0x4a: {  	[tilespmem:v28+s14+$0x0] =	vst.idx.msk $0xffff, v1  }
0x4b: {  	[tilespmem:v29+s14+$0x0] =	vst.idx.msk $0xffff, v1  }
0x4c: {  	[tilespmem:v30+s14+$0x0] =	vst.idx.msk $0xffff, v1  }
0x4d: {  	[tilespmem:v31+s14+$0x0] =	vst.idx.msk $0xffff, v1  }
0x4e: {  	v26 =	vld.idx.msk [tilespmem:v0+s2+$0x0], $0xffff;
	_ =	sdelay $0x4  }
0x4f: {  	v26 =	vadd.s32 v4, v26;
	_ =	sdelay $0x4  }
0x50: {  	[tilespmem:v26+s11+$0x0] =	vst.idx.msk $0xffff, v9  }
0x51: {  	v26 =	vld.idx.msk [tilespmem:v2+s2+$0x0], $0xffff;
	_ =	sdelay $0x4  }
0x52: {  	v26 =	vadd.s32 v10, v26;
	_ =	sdelay $0x4  }
0x53: {  	[tilespmem:v26+s11+$0x0] =	vst.idx.msk $0xffff, v9  }
0x54: {  	v26 =	vld.idx.msk [tilespmem:v3+s2+$0x0], $0xffff;
	_ =	sdelay $0x4  }
0x55: {  	v26 =	vadd.s32 v11, v26;
	_ =	sdelay $0x4  }
0x56: {  	[tilespmem:v26+s11+$0x0] =	vst.idx.msk $0xffff, v9  }
0x57: {  	v26 =	vld.idx.msk [tilespmem:v12+s2+$0x0], $0xffff;
	_ =	sdelay $0x4  }
0x58: {  	v26 =	vand.u32 $0x7F, v26  }
0x59: {  	v26 =	vmin.u32 v26, $0x63  }
0x5a: {  	v26 =	vor.u32 v13, v26;
	_ =	sdelay $0x4  }
0x5b: {  	[tilespmem:v26+s11+$0x0] =	vst.idx.msk $0x3, v9  }
0x5c: {  	[hbm4b:s3+s2] =	stream.linear.scatter [tilespmem:s11], [sflag:$0x1], $0x1900, $0x38;
	[tilespmem:$0x17000] =	vst v63  }
0x5d: {  	v26 =	vld.idx.msk [tilespmem:v14+s2+$0x0], $0xffff;
	_ =	sdelay $0x4  }
0x5e: {  	v26 =	vadd.s32 v4, v26;
	_ =	sdelay $0x4  }
0x5f: {  	[tilespmem:v26+s12+$0x0] =	vst.idx.msk $0xffff, v9  }
0x60: {  	v26 =	vld.idx.msk [tilespmem:v15+s2+$0x0], $0xffff;
	_ =	sdelay $0x4  }
0x61: {  	v26 =	vadd.s32 v10, v26;
	_ =	sdelay $0x4  }
0x62: {  	[tilespmem:v26+s12+$0x0] =	vst.idx.msk $0xffff, v9  }
0x63: {  	v26 =	vld.idx.msk [tilespmem:v16+s2+$0x0], $0xffff;
	_ =	sdelay $0x4  }
0x64: {  	v26 =	vadd.s32 v11, v26;
	_ =	sdelay $0x4  }
0x65: {  	[tilespmem:v26+s12+$0x0] =	vst.idx.msk $0xffff, v9  }
0x66: {  	v26 =	vld.idx.msk [tilespmem:v17+s2+$0x0], $0xffff;
	_ =	sdelay $0x4  }
0x67: {  	v26 =	vand.u32 $0x7F, v26  }
0x68: {  	v26 =	vmin.u32 v26, $0x63  }
0x69: {  	v26 =	vor.u32 v13, v26;
	_ =	sdelay $0x4  }
0x6a: {  	[tilespmem:v26+s12+$0x0] =	vst.idx.msk $0x3, v9  }
0x6b: {  	[hbm4b:s5+s2] =	stream.linear.scatter [tilespmem:s12], [sflag:$0x2], $0x1900, $0x38;
	[tilespmem:$0x17000] =	vst v63  }
0x6c: {  	v26 =	vld.idx.msk [tilespmem:v18+s2+$0x0], $0xffff;
	_ =	sdelay $0x4  }
0x6d: {  	v26 =	vadd.s32 v4, v26;
	_ =	sdelay $0x4  }
0x6e: {  	[tilespmem:v26+s13+$0x0] =	vst.idx.msk $0xffff, v9  }
0x6f: {  	v26 =	vld.idx.msk [tilespmem:v19+s2+$0x0], $0xffff;
	_ =	sdelay $0x4  }
0x70: {  	v26 =	vadd.s32 v10, v26;
	_ =	sdelay $0x4  }
0x71: {  	[tilespmem:v26+s13+$0x0] =	vst.idx.msk $0xffff, v9  }
0x72: {  	v26 =	vld.idx.msk [tilespmem:v20+s2+$0x0], $0xffff;
	_ =	sdelay $0x4  }
0x73: {  	v26 =	vadd.s32 v11, v26;
	_ =	sdelay $0x4  }
0x74: {  	[tilespmem:v26+s13+$0x0] =	vst.idx.msk $0xffff, v9  }
0x75: {  	v26 =	vld.idx.msk [tilespmem:v21+s2+$0x0], $0xffff;
	_ =	sdelay $0x4  }
0x76: {  	v26 =	vand.u32 $0x7F, v26  }
0x77: {  	v26 =	vmin.u32 v26, $0x63  }
0x78: {  	v26 =	vor.u32 v13, v26;
	_ =	sdelay $0x4  }
0x79: {  	[tilespmem:v26+s13+$0x0] =	vst.idx.msk $0x3, v9  }
0x7a: {  	[hbm4b:s6+s2] =	stream.linear.scatter [tilespmem:s13], [sflag:$0x3], $0x1900, $0x38;
	[tilespmem:$0x17000] =	vst v63  }
0x7b: {  	v26 =	vld.idx.msk [tilespmem:v22+s2+$0x0], $0xffff;
	_ =	sdelay $0x4  }
0x7c: {  	v26 =	vadd.s32 v4, v26;
	_ =	sdelay $0x4  }
0x7d: {  	[tilespmem:v26+s14+$0x0] =	vst.idx.msk $0xffff, v9  }
0x7e: {  	v26 =	vld.idx.msk [tilespmem:v23+s2+$0x0], $0xffff;
	_ =	sdelay $0x4  }
0x7f: {  	v26 =	vadd.s32 v10, v26;
	_ =	sdelay $0x4  }
0x80: {  	[tilespmem:v26+s14+$0x0] =	vst.idx.msk $0xffff, v9  }
0x81: {  	v26 =	vld.idx.msk [tilespmem:v24+s2+$0x0], $0xffff;
	_ =	sdelay $0x4  }
0x82: {  	v26 =	vadd.s32 v11, v26;
	_ =	sdelay $0x4  }
0x83: {  	[tilespmem:v26+s14+$0x0] =	vst.idx.msk $0xffff, v9  }
0x84: {  	v26 =	vld.idx.msk [tilespmem:v25+s2+$0x0], $0xffff;
	_ =	sdelay $0x4  }
0x85: {  	v26 =	vand.u32 $0x7F, v26  }
0x86: {  	v26 =	vmin.u32 v26, $0x63  }
0x87: {  	v26 =	vor.u32 v13, v26;
	_ =	sdelay $0x4  }
0x88: {  	s20 =	simm.s32 $0x7;
	s21 =	smov.u32 s9;
	[tilespmem:v26+s14+$0x0] =	vst.idx.msk $0x3, v9  }
0x89: {  	[hbm4b:s7+s2] =	stream.linear.scatter [tilespmem:s14], [sflag:$0x4], $0x1900, $0x38;
	[tilespmem:$0x17000] =	vst v63  }
.LBB2_4:
0x8a: {  	s22 =	sshll.u32 s20, $0x7  }
0x8b: {  	s23 =	sadd.s32 $0xFFFFFC80, s22  }
0x8c: {  	v26 =	vor.u32 s23, v0;
	_ =	sdelay $0x1  }
0x8d: {  	_ =	swait.ge [sflag:s15], $0x1900  }
0x8e: {  	[sflag:s15] =	ssyncset.done $0x0  }
0x8f: {  	[sflag:s15] =	ssyncadd.s32 $0xFFFFE700  }
0x90: {  	v26 =	vld.idx.msk [tilespmem:v26+s2+$0x0], $0xffff;
	_ =	sdelay $0x4  }
0x91: {  	v26 =	vadd.s32 v4, v26  }
0x92: {  	v27 =	vor.u32 s23, v2;
	_ =	sdelay $0x3  }
0x93: {  	[tilespmem:v26+s11+$0x0] =	vst.idx.msk $0xffff, v1  }
0x94: {  	v26 =	vld.idx.msk [tilespmem:v27+s2+$0x0], $0xffff;
	_ =	sdelay $0x4  }
0x95: {  	v26 =	vadd.s32 v10, v26  }
0x96: {  	v27 =	vor.u32 s23, v3;
	_ =	sdelay $0x3  }
0x97: {  	[tilespmem:v26+s11+$0x0] =	vst.idx.msk $0xffff, v1  }
0x98: {  	v26 =	vld.idx.msk [tilespmem:v27+s2+$0x0], $0xffff;
	_ =	sdelay $0x4  }
0x99: {  	v26 =	vadd.s32 v11, v26  }
0x9a: {  	v27 =	vor.u32 s23, v12;
	_ =	sdelay $0x3  }
0x9b: {  	[tilespmem:v26+s11+$0x0] =	vst.idx.msk $0xffff, v1  }
0x9c: {  	v26 =	vld.idx.msk [tilespmem:v27+s2+$0x0], $0xffff;
	_ =	sdelay $0x4  }
0x9d: {  	v26 =	vand.u32 $0x7F, v26  }
0x9e: {  	v26 =	vmin.u32 v26, $0x63  }
0x9f: {  	s31 =	sadd.s32 $0xFFFFFE80, s22;
	v26 =	vor.u32 v13, v26  }
0xa0: {  	v27 =	vor.u32 s31, v0;
	_ =	sdelay $0x3  }
0xa1: {  	[tilespmem:v26+s11+$0x0] =	vst.idx.msk $0x3, v1  }
0xa2: {  	v26 =	vld.idx.msk [tilespmem:v27+s2+$0x0], $0xffff;
	_ =	sdelay $0x4  }
0xa3: {  	v26 =	vadd.s32 v4, v26  }
0xa4: {  	v27 =	vor.u32 s31, v2;
	_ =	sdelay $0x3  }
0xa5: {  	[tilespmem:v26+s11+$0x0] =	vst.idx.msk $0xffff, v9  }
0xa6: {  	v26 =	vld.idx.msk [tilespmem:v27+s2+$0x0], $0xffff;
	_ =	sdelay $0x4  }
0xa7: {  	v26 =	vadd.s32 v10, v26  }
0xa8: {  	v27 =	vor.u32 s31, v3;
	_ =	sdelay $0x3  }
0xa9: {  	[tilespmem:v26+s11+$0x0] =	vst.idx.msk $0xffff, v9  }
0xaa: {  	v26 =	vld.idx.msk [tilespmem:v27+s2+$0x0], $0xffff;
	_ =	sdelay $0x4  }
0xab: {  	v26 =	vadd.s32 v11, v26  }
0xac: {  	v27 =	vor.u32 s31, v12;
	_ =	sdelay $0x3  }
0xad: {  	[tilespmem:v26+s11+$0x0] =	vst.idx.msk $0xffff, v9  }
0xae: {  	v26 =	vld.idx.msk [tilespmem:v27+s2+$0x0], $0xffff;
	_ =	sdelay $0x4  }
0xaf: {  	v26 =	vand.u32 $0x7F, v26  }
0xb0: {  	v26 =	vmin.u32 v26, $0x63  }
0xb1: {  	v26 =	vor.u32 v13, v26;
	_ =	sdelay $0x3  }
0xb2: {  	s24 =	sadd.s32 $0xFFFFFD00, s22  }
0xb3: {  	[tilespmem:v26+s11+$0x0] =	vst.idx.msk $0x3, v9;
	v26 =	vor.u32 s24, v0  }
0xb4: {  	[hbm4b:s21+s2] =	stream.linear.scatter [tilespmem:s11], [sflag:$0x1], $0x1900, $0x38;
	[tilespmem:$0x17000] =	vst v63  }
0xb5: {  	_ =	swait.ge [sflag:s16], $0x1900  }
0xb6: {  	[sflag:s16] =	ssyncset.done $0x0  }
0xb7: {  	[sflag:s16] =	ssyncadd.s32 $0xFFFFE700  }
0xb8: {  	v26 =	vld.idx.msk [tilespmem:v26+s2+$0x0], $0xffff;
	_ =	sdelay $0x4  }
0xb9: {  	v26 =	vadd.s32 v4, v26  }
0xba: {  	v27 =	vor.u32 s24, v2;
	_ =	sdelay $0x3  }
0xbb: {  	[tilespmem:v26+s12+$0x0] =	vst.idx.msk $0xffff, v1  }
0xbc: {  	v26 =	vld.idx.msk [tilespmem:v27+s2+$0x0], $0xffff;
	_ =	sdelay $0x4  }
0xbd: {  	v26 =	vadd.s32 v10, v26  }
0xbe: {  	v27 =	vor.u32 s24, v3;
	_ =	sdelay $0x3  }
0xbf: {  	[tilespmem:v26+s12+$0x0] =	vst.idx.msk $0xffff, v1  }
0xc0: {  	v26 =	vld.idx.msk [tilespmem:v27+s2+$0x0], $0xffff;
	_ =	sdelay $0x4  }
0xc1: {  	v26 =	vadd.s32 v11, v26  }
0xc2: {  	v27 =	vor.u32 s24, v12;
	_ =	sdelay $0x3  }
0xc3: {  	[tilespmem:v26+s12+$0x0] =	vst.idx.msk $0xffff, v1  }
0xc4: {  	v26 =	vld.idx.msk [tilespmem:v27+s2+$0x0], $0xffff;
	_ =	sdelay $0x4  }
0xc5: {  	v26 =	vand.u32 $0x7F, v26  }
0xc6: {  	v26 =	vmin.u32 v26, $0x63  }
0xc7: {  	s25 =	sadd.s32 $0xFFFFFF00, s22;
	v26 =	vor.u32 v13, v26  }
0xc8: {  	v27 =	vor.u32 s25, v0;
	_ =	sdelay $0x3  }
0xc9: {  	[tilespmem:v26+s12+$0x0] =	vst.idx.msk $0x3, v1  }
0xca: {  	v26 =	vld.idx.msk [tilespmem:v27+s2+$0x0], $0xffff;
	_ =	sdelay $0x4  }
0xcb: {  	v26 =	vadd.s32 v4, v26  }
0xcc: {  	v27 =	vor.u32 s25, v2;
	_ =	sdelay $0x3  }
0xcd: {  	[tilespmem:v26+s12+$0x0] =	vst.idx.msk $0xffff, v9  }
0xce: {  	v26 =	vld.idx.msk [tilespmem:v27+s2+$0x0], $0xffff;
	_ =	sdelay $0x4  }
0xcf: {  	v26 =	vadd.s32 v10, v26  }
0xd0: {  	v27 =	vor.u32 s25, v3;
	_ =	sdelay $0x3  }
0xd1: {  	[tilespmem:v26+s12+$0x0] =	vst.idx.msk $0xffff, v9  }
0xd2: {  	v26 =	vld.idx.msk [tilespmem:v27+s2+$0x0], $0xffff;
	_ =	sdelay $0x4  }
0xd3: {  	v26 =	vadd.s32 v11, v26  }
0xd4: {  	v27 =	vor.u32 s25, v12;
	_ =	sdelay $0x3  }
0xd5: {  	[tilespmem:v26+s12+$0x0] =	vst.idx.msk $0xffff, v9  }
0xd6: {  	v26 =	vld.idx.msk [tilespmem:v27+s2+$0x0], $0xffff;
	_ =	sdelay $0x4  }
0xd7: {  	v26 =	vand.u32 $0x7F, v26  }
0xd8: {  	v26 =	vmin.u32 v26, $0x63  }
0xd9: {  	v26 =	vor.u32 v13, v26;
	_ =	sdelay $0x3  }
0xda: {  	s26 =	sadd.s32 $0xFFFFFD80, s22  }
0xdb: {  	s24 =	sadd.s32 $0x380, s21;
	[tilespmem:v26+s12+$0x0] =	vst.idx.msk $0x3, v9;
	v26 =	vor.u32 s26, v0  }
0xdc: {  	[hbm4b:s24+s2] =	stream.linear.scatter [tilespmem:s12], [sflag:$0x2], $0x1900, $0x38;
	[tilespmem:$0x17000] =	vst v63  }
0xdd: {  	_ =	swait.ge [sflag:s17], $0x1900  }
0xde: {  	[sflag:s17] =	ssyncset.done $0x0  }
0xdf: {  	[sflag:s17] =	ssyncadd.s32 $0xFFFFE700  }
0xe0: {  	v26 =	vld.idx.msk [tilespmem:v26+s2+$0x0], $0xffff;
	_ =	sdelay $0x4  }
0xe1: {  	v26 =	vadd.s32 v4, v26  }
0xe2: {  	v27 =	vor.u32 s26, v2;
	_ =	sdelay $0x3  }
0xe3: {  	[tilespmem:v26+s13+$0x0] =	vst.idx.msk $0xffff, v1  }
0xe4: {  	v26 =	vld.idx.msk [tilespmem:v27+s2+$0x0], $0xffff;
	_ =	sdelay $0x4  }
0xe5: {  	v26 =	vadd.s32 v10, v26  }
0xe6: {  	v27 =	vor.u32 s26, v3;
	_ =	sdelay $0x3  }
0xe7: {  	[tilespmem:v26+s13+$0x0] =	vst.idx.msk $0xffff, v1  }
0xe8: {  	v26 =	vld.idx.msk [tilespmem:v27+s2+$0x0], $0xffff;
	_ =	sdelay $0x4  }
0xe9: {  	v26 =	vadd.s32 v11, v26  }
0xea: {  	v27 =	vor.u32 s26, v12;
	_ =	sdelay $0x3  }
0xeb: {  	[tilespmem:v26+s13+$0x0] =	vst.idx.msk $0xffff, v1  }
0xec: {  	v26 =	vld.idx.msk [tilespmem:v27+s2+$0x0], $0xffff;
	_ =	sdelay $0x4  }
0xed: {  	v26 =	vand.u32 $0x7F, v26  }
0xee: {  	v26 =	vmin.u32 v26, $0x63  }
0xef: {  	s28 =	sadd.s32 $0xFFFFFF80, s22;
	v26 =	vor.u32 v13, v26  }
0xf0: {  	v27 =	vor.u32 s28, v0;
	_ =	sdelay $0x3  }
0xf1: {  	[tilespmem:v26+s13+$0x0] =	vst.idx.msk $0x3, v1  }
0xf2: {  	v26 =	vld.idx.msk [tilespmem:v27+s2+$0x0], $0xffff;
	_ =	sdelay $0x4  }
0xf3: {  	v26 =	vadd.s32 v4, v26  }
0xf4: {  	v27 =	vor.u32 s28, v2;
	_ =	sdelay $0x3  }
0xf5: {  	[tilespmem:v26+s13+$0x0] =	vst.idx.msk $0xffff, v9  }
0xf6: {  	v26 =	vld.idx.msk [tilespmem:v27+s2+$0x0], $0xffff;
	_ =	sdelay $0x4  }
0xf7: {  	v26 =	vadd.s32 v10, v26  }
0xf8: {  	v27 =	vor.u32 s28, v3;
	_ =	sdelay $0x3  }
0xf9: {  	[tilespmem:v26+s13+$0x0] =	vst.idx.msk $0xffff, v9  }
0xfa: {  	v26 =	vld.idx.msk [tilespmem:v27+s2+$0x0], $0xffff;
	_ =	sdelay $0x4  }
0xfb: {  	v26 =	vadd.s32 v11, v26  }
0xfc: {  	v27 =	vor.u32 s28, v12;
	_ =	sdelay $0x3  }
0xfd: {  	[tilespmem:v26+s13+$0x0] =	vst.idx.msk $0xffff, v9  }
0xfe: {  	v26 =	vld.idx.msk [tilespmem:v27+s2+$0x0], $0xffff;
	_ =	sdelay $0x4  }
0xff: {  	v26 =	vand.u32 $0x7F, v26  }
0x100: {  	v26 =	vmin.u32 v26, $0x63  }
0x101: {  	v26 =	vor.u32 v13, v26;
	_ =	sdelay $0x3  }
0x102: {  	s29 =	sadd.s32 $0xFFFFFE00, s22  }
0x103: {  	s30 =	sadd.s32 $0x700, s21;
	[tilespmem:v26+s13+$0x0] =	vst.idx.msk $0x3, v9;
	v26 =	vor.u32 s29, v0  }
0x104: {  	[hbm4b:s30+s2] =	stream.linear.scatter [tilespmem:s13], [sflag:$0x3], $0x1900, $0x38;
	[tilespmem:$0x17000] =	vst v63  }
0x105: {  	_ =	swait.ge [sflag:s18], $0x1900  }
0x106: {  	[sflag:s18] =	ssyncset.done $0x0  }
0x107: {  	[sflag:s18] =	ssyncadd.s32 $0xFFFFE700  }
0x108: {  	v26 =	vld.idx.msk [tilespmem:v26+s2+$0x0], $0xffff;
	_ =	sdelay $0x4  }
0x109: {  	v26 =	vadd.s32 v4, v26  }
0x10a: {  	v27 =	vor.u32 s29, v2;
	_ =	sdelay $0x3  }
0x10b: {  	[tilespmem:v26+s14+$0x0] =	vst.idx.msk $0xffff, v1  }
0x10c: {  	v26 =	vld.idx.msk [tilespmem:v27+s2+$0x0], $0xffff;
	_ =	sdelay $0x4  }
0x10d: {  	v26 =	vadd.s32 v10, v26  }
0x10e: {  	v27 =	vor.u32 s29, v3;
	_ =	sdelay $0x3  }
0x10f: {  	[tilespmem:v26+s14+$0x0] =	vst.idx.msk $0xffff, v1  }
0x110: {  	v26 =	vld.idx.msk [tilespmem:v27+s2+$0x0], $0xffff;
	_ =	sdelay $0x4  }
0x111: {  	v26 =	vadd.s32 v11, v26  }
0x112: {  	v27 =	vor.u32 s29, v12;
	_ =	sdelay $0x3  }
0x113: {  	[tilespmem:v26+s14+$0x0] =	vst.idx.msk $0xffff, v1  }
0x114: {  	v26 =	vld.idx.msk [tilespmem:v27+s2+$0x0], $0xffff;
	_ =	sdelay $0x4  }
0x115: {  	v26 =	vand.u32 $0x7F, v26  }
0x116: {  	v26 =	vmin.u32 v26, $0x63  }
0x117: {  	v26 =	vor.u32 v13, v26  }
0x118: {  	v27 =	vor.u32 s22, v0;
	_ =	sdelay $0x3  }
0x119: {  	[tilespmem:v26+s14+$0x0] =	vst.idx.msk $0x3, v1  }
0x11a: {  	v26 =	vld.idx.msk [tilespmem:v27+s2+$0x0], $0xffff;
	_ =	sdelay $0x4  }
0x11b: {  	v26 =	vadd.s32 v4, v26  }
0x11c: {  	v27 =	vor.u32 s22, v2;
	_ =	sdelay $0x3  }
0x11d: {  	[tilespmem:v26+s14+$0x0] =	vst.idx.msk $0xffff, v9  }
0x11e: {  	v26 =	vld.idx.msk [tilespmem:v27+s2+$0x0], $0xffff;
	_ =	sdelay $0x4  }
0x11f: {  	v26 =	vadd.s32 v10, v26  }
0x120: {  	v27 =	vor.u32 s22, v3;
	_ =	sdelay $0x3  }
0x121: {  	[tilespmem:v26+s14+$0x0] =	vst.idx.msk $0xffff, v9  }
0x122: {  	v26 =	vld.idx.msk [tilespmem:v27+s2+$0x0], $0xffff;
	_ =	sdelay $0x4  }
0x123: {  	v26 =	vadd.s32 v11, v26  }
0x124: {  	v27 =	vor.u32 s22, v12;
	_ =	sdelay $0x3  }
0x125: {  	[tilespmem:v26+s14+$0x0] =	vst.idx.msk $0xffff, v9  }
0x126: {  	v26 =	vld.idx.msk [tilespmem:v27+s2+$0x0], $0xffff;
	_ =	sdelay $0x4  }
0x127: {  	v26 =	vand.u32 $0x7F, v26  }
0x128: {  	v26 =	vmin.u32 v26, $0x63  }
0x129: {  	v26 =	vor.u32 v13, v26  }
0x12a: {  	p0 =	sne.s32 s20, $0x1FF  }
.Ltmp1:
0x12b: {  	_ = 	snop;
	(pc) =	sbr.rel @p0 .LBB2_4-.Ltmp1, $3  }
0x12c: {  	_ =	sdelay $0x1  }
0x12d: {  	s20 =	sadd.s32 $0x4, s20;
	s31 =	sadd.s32 $0xA80, s21;
	s21 =	sadd.s32 $0xE00, s21;
	[tilespmem:v26+s14+$0x0] =	vst.idx.msk $0x3, v9  }
0x12e: {  	[hbm4b:s31+s2] =	stream.linear.scatter [tilespmem:s14], [sflag:$0x4], $0x1900, $0x38;
	[tilespmem:$0x17000] =	vst v63  }
0x12f: {  	_ =	swait.ge [sflag:s15], $0x1900  }
0x130: {  	[sflag:s15] =	ssyncset.done $0x0  }
0x131: {  	[sflag:s15] =	ssyncadd.s32 $0xFFFFE700  }
0x132: {  	_ =	swait.ge [sflag:s16], $0x1900  }
0x133: {  	[sflag:s16] =	ssyncset.done $0x0  }
0x134: {  	s19 =	sadd.s32 $0x1, s19;
	[sflag:s16] =	ssyncadd.s32 $0xFFFFE700  }
0x135: {  	p0 =	sne.s32 s19, s8;
	_ =	swait.ge [sflag:s17], $0x1900  }
.Ltmp2:
0x136: {  	[sflag:s17] =	ssyncset.done $0x0;
	(pc) =	sbr.rel @p0 .LBB2_1-.Ltmp2, $4  }
0x137: {  	[sflag:s17] =	ssyncadd.s32 $0xFFFFE700  }
0x138: {  	_ =	swait.ge [sflag:s18], $0x1900  }
0x139: {  	[sflag:s18] =	ssyncset.done $0x0  }
0x13a: {  	[sflag:s18] =	ssyncadd.s32 $0xFFFFE700  }
0x13b: {  	_ =	sfence.sel $0x180000  }
0x13c: {  	[bflag:$0x0] =	sbarrier.arrive $0xFFFF  }
0x13d: {  	p0 =	sne.s32 s1, $0x0;
	_ =	strace $0x90000047  }
0x13e: {  	s0 =	sadd.s32 @!p0 $0x100000, s0;
	[bflag:$0x2] =	sbarrier.arrive $0xFFFF  }
0x13f: {  	[sflag:s0] =	ssyncadd.tile.s32 @!p0 $0x1;
	_ =	shalt  }
.Lfunc_end2:
_tile_overlayer_lowered:
.L_overlay_start_2:
0x140: {  	(tag) =	ssettag $0x2  }
0x141: {  	s0 =	rddreg [dreg:$0x0];
	s2 =	stileid.u32  }
0x142: {  	s1 =	rddreg [dreg:$0x1];
	p0 =	sne.s32 s2, $0x0  }
0x143: {  	s3 =	rddreg [dreg:$0x2];
	[bflag:$0x3] =	sbarrier.arrive $0xFFFF;
	s2 =	simm.s32 @!p0 $0x1C05  }
0x144: {  	[timem:s3], [sflag:s2] =	dma.local @!p0 [hbm:s0], s1  }
0x145: {  	s0 =	simm.s32 @!p0 $0x5  }
0x146: {  	_ =	swait.ge @!p0 [sflag:s0], s1  }
0x147: {  	s1 =	ssub.s32 @!p0 $0x0, s1;
	[sflag:s0] =	ssyncset.done @!p0 $0x0  }
0x148: {  	[sflag:s0] =	ssyncadd.s32 @!p0 s1  }
0x149: {  	[bflag:$0x3] =	sbarrier.arrive $0xFFFF  }
0x14a: {  	_ =	shalt  }

</sc_bundles>
